<compile_context>
chip_gen: v7x
topology: tpu7x:2x2x1
jax: 0.10.2.dev20260603
libtpu: 0.0.44.dev20260713+nightly
codegen_flags: <defaults>
</compile_context>

<pallas_src>
import functools

import jax
import jax.numpy as jnp
from jax import lax
from jax.experimental import pallas as pl
from jax.experimental.pallas import tpu as pltpu
from jax.experimental.pallas import tpu_sc as plsc

N_NODES = 10000
N_EDGES = 320000
FEAT = 128

NC = 2
NS = 16
NW = NC * NS

CHUNK = 128
CHUNKS_PER_TILE = 80
STAGE = 40
TOTAL_CHUNKS = CHUNKS_PER_TILE * NW
E_PAD = TOTAL_CHUNKS * CHUNK

ROWS_PER_TILE = -(-(N_NODES + 1) // (NS * 8)) * 8
AGG_ROWS = ROWS_PER_TILE * NS
N_TRASH = AGG_ROWS - N_NODES

MLP_BLOCK = 2000
MLP_GRID = N_NODES // MLP_BLOCK


def _sc_aggregate(x, src, dst, zeros):
    mesh = plsc.VectorSubcoreMesh(core_axis_name="c", subcore_axis_name="s")

    @functools.partial(
        pl.kernel,
        out_type=jax.ShapeDtypeStruct((NC, AGG_ROWS, FEAT), jnp.float32),
        mesh=mesh,
        scratch_types=[
            pltpu.VMEM((STAGE, CHUNK), jnp.int32),
            pltpu.VMEM((STAGE, CHUNK), jnp.int32),
            pltpu.VMEM((CHUNK, FEAT), jnp.float32),
            pltpu.VMEM((CHUNK, FEAT), jnp.float32),
            pltpu.VMEM_SHARED((AGG_ROWS, FEAT), jnp.float32),
            pltpu.SemaphoreType.DMA,
            pltpu.SemaphoreType.DMA,
        ],
    )
    def agg_kernel(x_hbm, src_hbm, dst_hbm, zeros_hbm, out_hbm,
                   src_v, dst_v, rows0_v, rows1_v, agg_sh, gsem0, gsem1):
        cid = lax.axis_index("c")
        sid = lax.axis_index("s")
        wid = cid * NS + sid
        row0 = sid * ROWS_PER_TILE

        pltpu.sync_copy(zeros_hbm.at[pl.ds(0, ROWS_PER_TILE)],
                        agg_sh.at[pl.ds(row0, ROWS_PER_TILE)])
        plsc.subcore_barrier()

        bufs = (rows0_v, rows1_v)
        gsems = (gsem0, gsem1)

        def gather(c, b):
            pltpu.async_copy(x_hbm.at[src_v.at[c]], bufs[b], gsems[b])

        def gather_wait(c, b):
            pltpu.make_async_copy(x_hbm.at[src_v.at[c]], bufs[b],
                                  gsems[b]).wait()

        def scatter(c, b):
            pltpu.sync_copy(bufs[b], agg_sh.at[dst_v.at[c]], add=True)

        for h in range(CHUNKS_PER_TILE // STAGE):
            pltpu.sync_copy(src_hbm.at[wid, pl.ds(h * STAGE, STAGE)], src_v)
            pltpu.sync_copy(dst_hbm.at[wid, pl.ds(h * STAGE, STAGE)], dst_v)
            gather(0, 0)

            def body(g, carry):
                c = 2 * g
                gather(c + 1, 1)
                gather_wait(c, 0)
                scatter(c, 0)

                @pl.when(g < STAGE // 2 - 1)
                def _():
                    gather(c + 2, 0)

                gather_wait(c + 1, 1)
                scatter(c + 1, 1)
                return carry

            lax.fori_loop(0, STAGE // 2, body, 0, unroll=False)
        plsc.subcore_barrier()

        pltpu.sync_copy(agg_sh.at[pl.ds(row0, ROWS_PER_TILE)],
                        out_hbm.at[cid, pl.ds(row0, ROWS_PER_TILE)])

    return agg_kernel(x, src, dst, zeros)


def _mlp_body(eps_ref, x_ref, p_ref, w1_ref, b1_ref, w2_ref, b2_ref, y_ref):
    scale = 1.0 + eps_ref[0]
    out = scale * x_ref[...] + p_ref[0] + p_ref[1]
    h = jnp.maximum(
        jnp.dot(out, w1_ref[...], preferred_element_type=jnp.float32)
        + b1_ref[...], 0.0)
    y_ref[...] = (
        jnp.dot(h, w2_ref[...], preferred_element_type=jnp.float32)
        + b2_ref[...])


def _tc_mlp(eps, x, partials, W1, b1, W2, b2):
    return pl.pallas_call(
        _mlp_body,
        grid=(MLP_GRID,),
        in_specs=[
            pl.BlockSpec(memory_space=pltpu.SMEM),
            pl.BlockSpec((MLP_BLOCK, FEAT), lambda i: (i, 0)),
            pl.BlockSpec((NC, MLP_BLOCK, FEAT), lambda i: (0, i, 0)),
            pl.BlockSpec((FEAT, FEAT), lambda i: (0, 0)),
            pl.BlockSpec((1, FEAT), lambda i: (0, 0)),
            pl.BlockSpec((FEAT, FEAT), lambda i: (0, 0)),
            pl.BlockSpec((1, FEAT), lambda i: (0, 0)),
        ],
        out_specs=pl.BlockSpec((MLP_BLOCK, FEAT), lambda i: (i, 0)),
        out_shape=jax.ShapeDtypeStruct((N_NODES, FEAT), jnp.float32),
    )(eps, x, partials, W1, b1, W2, b2)


@jax.jit
def kernel(x, edge_index, eps, W1, b1, W2, b2):
    src = edge_index[0]
    dst = edge_index[1]
    pad = E_PAD - N_EDGES
    pad_src = jnp.arange(pad, dtype=jnp.int32) % N_NODES
    src_p = jnp.concatenate([src, pad_src]).reshape(NW, CHUNKS_PER_TILE, CHUNK)
    trash = N_NODES + jnp.arange(pad, dtype=jnp.int32) % N_TRASH
    dst_p = jnp.concatenate([dst, trash]).reshape(NW, CHUNKS_PER_TILE, CHUNK)
    zeros = jnp.zeros((ROWS_PER_TILE, FEAT), jnp.float32)

    partials = _sc_aggregate(x, src_p, dst_p, zeros)
    return _tc_mlp(eps.reshape(1), x, partials, W1,
                   b1.reshape(1, FEAT), W2, b2.reshape(1, FEAT))

# --- scband reference (transcript-rebuilt; emitter-appended) ---
"""Pipeline reference for scband-gin-37890201485516 (READ-ONLY COPY).

The authoritative reference and input builder live on the scoring server;
editing this copy changes nothing except your own understanding.
"""

import jax, jax.numpy as jnp
import numpy as np

N, E, FEAT, HID, CLS = 10000, 320000, 128, 128, 128

def setup_inputs(seed: int = 0) -> dict:
    key = jax.random.key(seed)
    ks = jax.random.split(key, 6)
    x = jax.random.normal(ks[0], (N, FEAT), dtype=jnp.float32)
    edge_index = jax.random.randint(ks[1], (2, E), 0, N, dtype=jnp.int32)
    W1 = jax.random.normal(ks[2], (FEAT, HID), dtype=jnp.float32) * 0.05
    b1 = jnp.zeros((HID,), dtype=jnp.float32)
    W2 = jax.random.normal(ks[3], (HID, CLS), dtype=jnp.float32) * 0.05
    b2 = jnp.zeros((CLS,), dtype=jnp.float32)
    eps = jnp.zeros((), dtype=jnp.float32)  # GINConv train_eps=True, init 0
    return {"x": x, "edge_index": edge_index, "eps": eps, "W1": W1, "b1": b1, "W2": W2, "b2": b2}

def reference(x, edge_index, eps, W1, b1, W2, b2):
    # GINConv: out = MLP((1 + eps) * x + sum_{j in N(i)} x_j)
    src = edge_index[0]
    dst = edge_index[1]
    msgs = jnp.take(x, src, axis=0)                     # gather source node features per edge
    agg = jax.ops.segment_sum(msgs, dst, num_segments=x.shape[0])  # scatter-add to dst nodes
    out = (1.0 + eps) * x + agg
    # MLP([nfeat, nhid, nclass]): Linear -> ReLU -> (dropout=0) -> Linear
    h = jax.nn.relu(out @ W1 + b1)
    y = h @ W2 + b2
    return y

if __name__ == "__main__":
    import jax
    _d = setup_inputs()
    print(jax.jit(kernel)(*tuple(_d.values())))

</pallas_src>

<mosaic_0001>
#map = affine_map<(d0, d1) -> (0, 0)>
#map1 = affine_map<(d0, d1) -> (0, 0, 0)>
module attributes {stable_mosaic.version = 14 : i64} {
  func.func @agg_kernel(%arg0: i32, %arg1: i32, %arg2: memref<10000x128xf32, #tpu.memory_space<hbm>>, %arg3: memref<32x80x128xi32, #tpu.memory_space<hbm>>, %arg4: memref<32x80x128xi32, #tpu.memory_space<hbm>>, %arg5: memref<632x128xf32, #tpu.memory_space<hbm>>, %arg6: memref<2x10112x128xf32, #tpu.memory_space<hbm>>, %arg7: memref<40x128xi32, #tpu.memory_space<vmem>>, %arg8: memref<40x128xi32, #tpu.memory_space<vmem>>, %arg9: memref<128x128xf32, #tpu.memory_space<vmem>>, %arg10: memref<128x128xf32, #tpu.memory_space<vmem>>, %arg11: memref<10112x128xf32, #tpu.memory_space<vmem_shared>>, %arg12: memref<!tpu.dma_semaphore, #tpu.memory_space<semaphore_mem>>, %arg13: memref<!tpu.dma_semaphore, #tpu.memory_space<semaphore_mem>>) attributes {dimension_semantics = [#tpu.dimension_semantics<core_parallel>, #tpu.dimension_semantics<subcore_parallel>], iteration_bounds = array<i64: 2, 16>, scalar_prefetch = 0 : i64, scratch_operands = 7 : i64, tpu.core_type = #tpu.core_type<sc_vector_subcore>, window_params = [{transform_indices = #map}, {transform_indices = #map1}, {transform_indices = #map1}, {transform_indices = #map}, {transform_indices = #map1}]} {
    %mul3A = arith.constant 16 : i32
    %mul3A_0 = arith.muli %arg0, %mul3A : i32
    %add3A = arith.addi %mul3A_0, %arg1 : i32
    %mul3A_1 = arith.constant 632 : i32
    %mul3A_2 = arith.muli %arg1, %mul3A_1 : i32
    "tpu.region"() ({
      %run_scoped3A = tpu.sem_alloc : memref<!tpu.dma_semaphore, #tpu.memory_space<semaphore_mem>>
      %dma_start3A_28 = arith.constant 0 : i32
      %dma_start3A_29 = tpu.memref_slice %arg11[%mul3A_2, %dma_start3A_28] : memref<10112x128xf32, #tpu.memory_space<vmem_shared>> -> memref<632x128xf32, #tpu.memory_space<vmem_shared>>
      %dma_start3A_30 = arith.constant 0 : i32
      %dma_start3A_31 = arith.constant 0 : i32
      %dma_start3A_32 = tpu.memref_slice %arg5[%dma_start3A_30, %dma_start3A_31] : memref<632x128xf32, #tpu.memory_space<hbm>> -> memref<632x128xf32, #tpu.memory_space<hbm>>
      tpu.enqueue_dma source(%dma_start3A_32 : memref<632x128xf32, #tpu.memory_space<hbm>>) target(%dma_start3A_29 : memref<632x128xf32, #tpu.memory_space<vmem_shared>>) target_semaphore(%run_scoped3A : memref<!tpu.dma_semaphore, #tpu.memory_space<semaphore_mem>>)
      %dma_wait3A = arith.constant 0 : i32
      %dma_wait3A_33 = tpu.memref_slice %arg11[%mul3A_2, %dma_wait3A] : memref<10112x128xf32, #tpu.memory_space<vmem_shared>> -> memref<632x128xf32, #tpu.memory_space<vmem_shared>>
      %dma_wait3A_34 = arith.constant 0 : i32
      %dma_wait3A_35 = arith.constant 0 : i32
      %dma_wait3A_36 = tpu.memref_slice %arg5[%dma_wait3A_34, %dma_wait3A_35] : memref<632x128xf32, #tpu.memory_space<hbm>> -> memref<632x128xf32, #tpu.memory_space<hbm>>
      tpu.wait_dma2 semaphore(%run_scoped3A : memref<!tpu.dma_semaphore, #tpu.memory_space<semaphore_mem>>) src(%dma_wait3A_36 : memref<632x128xf32, #tpu.memory_space<hbm>>) dst(%dma_wait3A_33 : memref<632x128xf32, #tpu.memory_space<vmem_shared>>)
      tpu.yield
    }) : () -> ()
    %barrier3A = arith.constant 0 : index
    tpu.barrier barrier_id(%barrier3A)
    "tpu.region"() ({
      %run_scoped3A = tpu.sem_alloc : memref<!tpu.dma_semaphore, #tpu.memory_space<semaphore_mem>>
      %dma_start3A_28 = arith.constant 0 : i32
      %dma_start3A_29 = arith.constant 0 : i32
      %dma_start3A_30 = tpu.memref_slice %arg3[%add3A, %dma_start3A_28, %dma_start3A_29] : memref<32x80x128xi32, #tpu.memory_space<hbm>> -> memref<1x40x128xi32, #tpu.memory_space<hbm>>
      %dma_start3A_31 = tpu.memref_squeeze %dma_start3A_30 : memref<1x40x128xi32, #tpu.memory_space<hbm>> -> memref<40x128xi32, #tpu.memory_space<hbm>>
      %dma_start3A_32 = arith.constant 0 : i32
      %dma_start3A_33 = arith.constant 0 : i32
      %dma_start3A_34 = tpu.memref_slice %arg3[%add3A, %dma_start3A_32, %dma_start3A_33] : memref<32x80x128xi32, #tpu.memory_space<hbm>> -> memref<1x40x128xi32, #tpu.memory_space<hbm>>
      %dma_start3A_35 = tpu.memref_squeeze %dma_start3A_34 : memref<1x40x128xi32, #tpu.memory_space<hbm>> -> memref<40x128xi32, #tpu.memory_space<hbm>>
      tpu.enqueue_dma source(%dma_start3A_35 : memref<40x128xi32, #tpu.memory_space<hbm>>) target(%arg7 : memref<40x128xi32, #tpu.memory_space<vmem>>) target_semaphore(%run_scoped3A : memref<!tpu.dma_semaphore, #tpu.memory_space<semaphore_mem>>)
      %dma_wait3A = arith.constant 0 : i32
      %dma_wait3A_36 = arith.constant 0 : i32
      %dma_wait3A_37 = tpu.memref_slice %arg3[%add3A, %dma_wait3A, %dma_wait3A_36] : memref<32x80x128xi32, #tpu.memory_space<hbm>> -> memref<1x40x128xi32, #tpu.memory_space<hbm>>
      %dma_wait3A_38 = tpu.memref_squeeze %dma_wait3A_37 : memref<1x40x128xi32, #tpu.memory_space<hbm>> -> memref<40x128xi32, #tpu.memory_space<hbm>>
      %dma_wait3A_39 = arith.constant 0 : i32
      %dma_wait3A_40 = arith.constant 0 : i32
      %dma_wait3A_41 = tpu.memref_slice %arg3[%add3A, %dma_wait3A_39, %dma_wait3A_40] : memref<32x80x128xi32, #tpu.memory_space<hbm>> -> memref<1x40x128xi32, #tpu.memory_space<hbm>>
      %dma_wait3A_42 = tpu.memref_squeeze %dma_wait3A_41 : memref<1x40x128xi32, #tpu.memory_space<hbm>> -> memref<40x128xi32, #tpu.memory_space<hbm>>
      tpu.wait_dma2 semaphore(%run_scoped3A : memref<!tpu.dma_semaphore, #tpu.memory_space<semaphore_mem>>) src(%dma_wait3A_42 : memref<40x128xi32, #tpu.memory_space<hbm>>) dst(%arg7 : memref<40x128xi32, #tpu.memory_space<vmem>>)
      tpu.yield
    }) : () -> ()
    "tpu.region"() ({
      %run_scoped3A = tpu.sem_alloc : memref<!tpu.dma_semaphore, #tpu.memory_space<semaphore_mem>>
      %dma_start3A_28 = arith.constant 0 : i32
      %dma_start3A_29 = arith.constant 0 : i32
      %dma_start3A_30 = tpu.memref_slice %arg4[%add3A, %dma_start3A_28, %dma_start3A_29] : memref<32x80x128xi32, #tpu.memory_space<hbm>> -> memref<1x40x128xi32, #tpu.memory_space<hbm>>
      %dma_start3A_31 = tpu.memref_squeeze %dma_start3A_30 : memref<1x40x128xi32, #tpu.memory_space<hbm>> -> memref<40x128xi32, #tpu.memory_space<hbm>>
      %dma_start3A_32 = arith.constant 0 : i32
      %dma_start3A_33 = arith.constant 0 : i32
      %dma_start3A_34 = tpu.memref_slice %arg4[%add3A, %dma_start3A_32, %dma_start3A_33] : memref<32x80x128xi32, #tpu.memory_space<hbm>> -> memref<1x40x128xi32, #tpu.memory_space<hbm>>
      %dma_start3A_35 = tpu.memref_squeeze %dma_start3A_34 : memref<1x40x128xi32, #tpu.memory_space<hbm>> -> memref<40x128xi32, #tpu.memory_space<hbm>>
      tpu.enqueue_dma source(%dma_start3A_35 : memref<40x128xi32, #tpu.memory_space<hbm>>) target(%arg8 : memref<40x128xi32, #tpu.memory_space<vmem>>) target_semaphore(%run_scoped3A : memref<!tpu.dma_semaphore, #tpu.memory_space<semaphore_mem>>)
      %dma_wait3A = arith.constant 0 : i32
      %dma_wait3A_36 = arith.constant 0 : i32
      %dma_wait3A_37 = tpu.memref_slice %arg4[%add3A, %dma_wait3A, %dma_wait3A_36] : memref<32x80x128xi32, #tpu.memory_space<hbm>> -> memref<1x40x128xi32, #tpu.memory_space<hbm>>
      %dma_wait3A_38 = tpu.memref_squeeze %dma_wait3A_37 : memref<1x40x128xi32, #tpu.memory_space<hbm>> -> memref<40x128xi32, #tpu.memory_space<hbm>>
      %dma_wait3A_39 = arith.constant 0 : i32
      %dma_wait3A_40 = arith.constant 0 : i32
      %dma_wait3A_41 = tpu.memref_slice %arg4[%add3A, %dma_wait3A_39, %dma_wait3A_40] : memref<32x80x128xi32, #tpu.memory_space<hbm>> -> memref<1x40x128xi32, #tpu.memory_space<hbm>>
      %dma_wait3A_42 = tpu.memref_squeeze %dma_wait3A_41 : memref<1x40x128xi32, #tpu.memory_space<hbm>> -> memref<40x128xi32, #tpu.memory_space<hbm>>
      tpu.wait_dma2 semaphore(%run_scoped3A : memref<!tpu.dma_semaphore, #tpu.memory_space<semaphore_mem>>) src(%dma_wait3A_42 : memref<40x128xi32, #tpu.memory_space<hbm>>) dst(%arg8 : memref<40x128xi32, #tpu.memory_space<vmem>>)
      tpu.yield
    }) : () -> ()
    %dma_start3A = arith.constant 0 : i32
    %dma_start3A_3 = arith.constant 0 : i32
    %dma_start3A_4 = tpu.memref_slice %arg7[%dma_start3A, %dma_start3A_3] : memref<40x128xi32, #tpu.memory_space<vmem>> -> memref<1x128xi32, #tpu.memory_space<vmem>>
    %dma_start3A_5 = tpu.memref_squeeze %dma_start3A_4 : memref<1x128xi32, #tpu.memory_space<vmem>> -> memref<128xi32, #tpu.memory_space<vmem>>
    %dma_start3A_6 = arith.constant 0 : i32
    %dma_start3A_7 = arith.constant 0 : i32
    %dma_start3A_8 = tpu.memref_slice %arg2[%dma_start3A_6, %dma_start3A_7] : memref<10000x128xf32, #tpu.memory_space<hbm>> -> memref<10000x128xf32, #tpu.memory_space<hbm>>
    tpu.enqueue_indirect_dma source(%dma_start3A_8 : memref<10000x128xf32, #tpu.memory_space<hbm>>) target(%arg9 : memref<128x128xf32, #tpu.memory_space<vmem>>) offsets(%dma_start3A_5 : memref<128xi32, #tpu.memory_space<vmem>>) semaphore(%arg12 : memref<!tpu.dma_semaphore, #tpu.memory_space<semaphore_mem>>)
    %scan3A = arith.constant 0 : i32
    %scan3A_9 = arith.constant 0 : i32
    %scan3A_10 = arith.constant 20 : i32
    %scan3A_11 = arith.addi %scan3A_9, %scan3A_10 : i32
    %scan3A_12 = arith.constant 1 : i32
    scf.for %scan3A_28 = %scan3A_9 to %scan3A_11 step %scan3A_12  : i32 {
      %mul3A_29 = arith.constant 2 : i32
      %mul3A_30 = arith.muli %mul3A_29, %scan3A_28 : i32
      %add3A_31 = arith.constant 1 : i32
      %add3A_32 = arith.addi %mul3A_30, %add3A_31 : i32
      %dma_start3A_33 = arith.constant 0 : i32
      %dma_start3A_34 = tpu.memref_slice %arg7[%add3A_32, %dma_start3A_33] : memref<40x128xi32, #tpu.memory_space<vmem>> -> memref<1x128xi32, #tpu.memory_space<vmem>>
      %dma_start3A_35 = tpu.memref_squeeze %dma_start3A_34 : memref<1x128xi32, #tpu.memory_space<vmem>> -> memref<128xi32, #tpu.memory_space<vmem>>
      %dma_start3A_36 = arith.constant 0 : i32
      %dma_start3A_37 = arith.constant 0 : i32
      %dma_start3A_38 = tpu.memref_slice %arg2[%dma_start3A_36, %dma_start3A_37] : memref<10000x128xf32, #tpu.memory_space<hbm>> -> memref<10000x128xf32, #tpu.memory_space<hbm>>
      tpu.enqueue_indirect_dma source(%dma_start3A_38 : memref<10000x128xf32, #tpu.memory_space<hbm>>) target(%arg10 : memref<128x128xf32, #tpu.memory_space<vmem>>) offsets(%dma_start3A_35 : memref<128xi32, #tpu.memory_space<vmem>>) semaphore(%arg13 : memref<!tpu.dma_semaphore, #tpu.memory_space<semaphore_mem>>)
      %dma_wait3A = arith.constant 0 : i32
      %dma_wait3A_39 = tpu.memref_slice %arg7[%mul3A_30, %dma_wait3A] : memref<40x128xi32, #tpu.memory_space<vmem>> -> memref<1x128xi32, #tpu.memory_space<vmem>>
      %dma_wait3A_40 = tpu.memref_squeeze %dma_wait3A_39 : memref<1x128xi32, #tpu.memory_space<vmem>> -> memref<128xi32, #tpu.memory_space<vmem>>
      %dma_wait3A_41 = arith.constant 0 : i32
      %dma_wait3A_42 = arith.constant 0 : i32
      %dma_wait3A_43 = tpu.memref_slice %arg2[%dma_wait3A_41, %dma_wait3A_42] : memref<10000x128xf32, #tpu.memory_space<hbm>> -> memref<10000x128xf32, #tpu.memory_space<hbm>>
      tpu.wait_indirect_dma semaphore(%arg12 : memref<!tpu.dma_semaphore, #tpu.memory_space<semaphore_mem>>) src(%dma_wait3A_43 : memref<10000x128xf32, #tpu.memory_space<hbm>>) dst(%arg9 : memref<128x128xf32, #tpu.memory_space<vmem>>)
      "tpu.region"() ({
        %run_scoped3A = tpu.sem_alloc : memref<!tpu.dma_semaphore, #tpu.memory_space<semaphore_mem>>
        %dma_start3A_56 = arith.constant 0 : i32
        %dma_start3A_57 = tpu.memref_slice %arg8[%mul3A_30, %dma_start3A_56] : memref<40x128xi32, #tpu.memory_space<vmem>> -> memref<1x128xi32, #tpu.memory_space<vmem>>
        %dma_start3A_58 = tpu.memref_squeeze %dma_start3A_57 : memref<1x128xi32, #tpu.memory_space<vmem>> -> memref<128xi32, #tpu.memory_space<vmem>>
        %dma_start3A_59 = arith.constant 0 : i32
        %dma_start3A_60 = arith.constant 0 : i32
        %dma_start3A_61 = tpu.memref_slice %arg11[%dma_start3A_59, %dma_start3A_60] : memref<10112x128xf32, #tpu.memory_space<vmem_shared>> -> memref<10112x128xf32, #tpu.memory_space<vmem_shared>>
        tpu.enqueue_indirect_dma source(%arg9 : memref<128x128xf32, #tpu.memory_space<vmem>>) target(%dma_start3A_61 : memref<10112x128xf32, #tpu.memory_space<vmem_shared>>) offsets(%dma_start3A_58 : memref<128xi32, #tpu.memory_space<vmem>>) semaphore(%run_scoped3A : memref<!tpu.dma_semaphore, #tpu.memory_space<semaphore_mem>>) {add = true}
        %dma_wait3A_62 = arith.constant 0 : i32
        %dma_wait3A_63 = tpu.memref_slice %arg8[%mul3A_30, %dma_wait3A_62] : memref<40x128xi32, #tpu.memory_space<vmem>> -> memref<1x128xi32, #tpu.memory_space<vmem>>
        %dma_wait3A_64 = tpu.memref_squeeze %dma_wait3A_63 : memref<1x128xi32, #tpu.memory_space<vmem>> -> memref<128xi32, #tpu.memory_space<vmem>>
        %dma_wait3A_65 = arith.constant 0 : i32
        %dma_wait3A_66 = arith.constant 0 : i32
        %dma_wait3A_67 = tpu.memref_slice %arg11[%dma_wait3A_65, %dma_wait3A_66] : memref<10112x128xf32, #tpu.memory_space<vmem_shared>> -> memref<10112x128xf32, #tpu.memory_space<vmem_shared>>
        tpu.wait_indirect_dma semaphore(%run_scoped3A : memref<!tpu.dma_semaphore, #tpu.memory_space<semaphore_mem>>) src(%arg9 : memref<128x128xf32, #tpu.memory_space<vmem>>) dst(%dma_wait3A_67 : memref<10112x128xf32, #tpu.memory_space<vmem_shared>>)
        tpu.yield
      }) : () -> ()
      %lt3A = arith.constant 19 : i32
      %lt3A_44 = arith.cmpi slt, %scan3A_28, %lt3A : i32
      %convert_element_type3A = arith.extui %lt3A_44 : i1 to i32
      %cond3A = arith.constant 0 : i32
      %cond3A_45 = arith.cmpi ne, %convert_element_type3A, %cond3A : i32
      scf.if %cond3A_45 {
        %add3A_56 = arith.constant 2 : i32
        %add3A_57 = arith.addi %mul3A_30, %add3A_56 : i32
        %dma_start3A_58 = arith.constant 0 : i32
        %dma_start3A_59 = tpu.memref_slice %arg7[%add3A_57, %dma_start3A_58] : memref<40x128xi32, #tpu.memory_space<vmem>> -> memref<1x128xi32, #tpu.memory_space<vmem>>
        %dma_start3A_60 = tpu.memref_squeeze %dma_start3A_59 : memref<1x128xi32, #tpu.memory_space<vmem>> -> memref<128xi32, #tpu.memory_space<vmem>>
        %dma_start3A_61 = arith.constant 0 : i32
        %dma_start3A_62 = arith.constant 0 : i32
        %dma_start3A_63 = tpu.memref_slice %arg2[%dma_start3A_61, %dma_start3A_62] : memref<10000x128xf32, #tpu.memory_space<hbm>> -> memref<10000x128xf32, #tpu.memory_space<hbm>>
        tpu.enqueue_indirect_dma source(%dma_start3A_63 : memref<10000x128xf32, #tpu.memory_space<hbm>>) target(%arg9 : memref<128x128xf32, #tpu.memory_space<vmem>>) offsets(%dma_start3A_60 : memref<128xi32, #tpu.memory_space<vmem>>) semaphore(%arg12 : memref<!tpu.dma_semaphore, #tpu.memory_space<semaphore_mem>>)
      } else {
      }
      %add3A_46 = arith.constant 1 : i32
      %add3A_47 = arith.addi %mul3A_30, %add3A_46 : i32
      %dma_wait3A_48 = arith.constant 0 : i32
      %dma_wait3A_49 = tpu.memref_slice %arg7[%add3A_47, %dma_wait3A_48] : memref<40x128xi32, #tpu.memory_space<vmem>> -> memref<1x128xi32, #tpu.memory_space<vmem>>
      %dma_wait3A_50 = tpu.memref_squeeze %dma_wait3A_49 : memref<1x128xi32, #tpu.memory_space<vmem>> -> memref<128xi32, #tpu.memory_space<vmem>>
      %dma_wait3A_51 = arith.constant 0 : i32
      %dma_wait3A_52 = arith.constant 0 : i32
      %dma_wait3A_53 = tpu.memref_slice %arg2[%dma_wait3A_51, %dma_wait3A_52] : memref<10000x128xf32, #tpu.memory_space<hbm>> -> memref<10000x128xf32, #tpu.memory_space<hbm>>
      tpu.wait_indirect_dma semaphore(%arg13 : memref<!tpu.dma_semaphore, #tpu.memory_space<semaphore_mem>>) src(%dma_wait3A_53 : memref<10000x128xf32, #tpu.memory_space<hbm>>) dst(%arg10 : memref<128x128xf32, #tpu.memory_space<vmem>>)
      %add3A_54 = arith.constant 1 : i32
      %add3A_55 = arith.addi %mul3A_30, %add3A_54 : i32
      "tpu.region"() ({
        %run_scoped3A = tpu.sem_alloc : memref<!tpu.dma_semaphore, #tpu.memory_space<semaphore_mem>>
        %dma_start3A_56 = arith.constant 0 : i32
        %dma_start3A_57 = tpu.memref_slice %arg8[%add3A_55, %dma_start3A_56] : memref<40x128xi32, #tpu.memory_space<vmem>> -> memref<1x128xi32, #tpu.memory_space<vmem>>
        %dma_start3A_58 = tpu.memref_squeeze %dma_start3A_57 : memref<1x128xi32, #tpu.memory_space<vmem>> -> memref<128xi32, #tpu.memory_space<vmem>>
        %dma_start3A_59 = arith.constant 0 : i32
        %dma_start3A_60 = arith.constant 0 : i32
        %dma_start3A_61 = tpu.memref_slice %arg11[%dma_start3A_59, %dma_start3A_60] : memref<10112x128xf32, #tpu.memory_space<vmem_shared>> -> memref<10112x128xf32, #tpu.memory_space<vmem_shared>>
        tpu.enqueue_indirect_dma source(%arg10 : memref<128x128xf32, #tpu.memory_space<vmem>>) target(%dma_start3A_61 : memref<10112x128xf32, #tpu.memory_space<vmem_shared>>) offsets(%dma_start3A_58 : memref<128xi32, #tpu.memory_space<vmem>>) semaphore(%run_scoped3A : memref<!tpu.dma_semaphore, #tpu.memory_space<semaphore_mem>>) {add = true}
        %dma_wait3A_62 = arith.constant 0 : i32
        %dma_wait3A_63 = tpu.memref_slice %arg8[%add3A_55, %dma_wait3A_62] : memref<40x128xi32, #tpu.memory_space<vmem>> -> memref<1x128xi32, #tpu.memory_space<vmem>>
        %dma_wait3A_64 = tpu.memref_squeeze %dma_wait3A_63 : memref<1x128xi32, #tpu.memory_space<vmem>> -> memref<128xi32, #tpu.memory_space<vmem>>
        %dma_wait3A_65 = arith.constant 0 : i32
        %dma_wait3A_66 = arith.constant 0 : i32
        %dma_wait3A_67 = tpu.memref_slice %arg11[%dma_wait3A_65, %dma_wait3A_66] : memref<10112x128xf32, #tpu.memory_space<vmem_shared>> -> memref<10112x128xf32, #tpu.memory_space<vmem_shared>>
        tpu.wait_indirect_dma semaphore(%run_scoped3A : memref<!tpu.dma_semaphore, #tpu.memory_space<semaphore_mem>>) src(%arg10 : memref<128x128xf32, #tpu.memory_space<vmem>>) dst(%dma_wait3A_67 : memref<10112x128xf32, #tpu.memory_space<vmem_shared>>)
        tpu.yield
      }) : () -> ()
    }
    %scan3A_13 = arith.constant 20 : i32
    "tpu.region"() ({
      %run_scoped3A = tpu.sem_alloc : memref<!tpu.dma_semaphore, #tpu.memory_space<semaphore_mem>>
      %dma_start3A_28 = arith.constant 40 : i32
      %dma_start3A_29 = arith.constant 0 : i32
      %dma_start3A_30 = tpu.memref_slice %arg3[%add3A, %dma_start3A_28, %dma_start3A_29] : memref<32x80x128xi32, #tpu.memory_space<hbm>> -> memref<1x40x128xi32, #tpu.memory_space<hbm>>
      %dma_start3A_31 = tpu.memref_squeeze %dma_start3A_30 : memref<1x40x128xi32, #tpu.memory_space<hbm>> -> memref<40x128xi32, #tpu.memory_space<hbm>>
      %dma_start3A_32 = arith.constant 40 : i32
      %dma_start3A_33 = arith.constant 0 : i32
      %dma_start3A_34 = tpu.memref_slice %arg3[%add3A, %dma_start3A_32, %dma_start3A_33] : memref<32x80x128xi32, #tpu.memory_space<hbm>> -> memref<1x40x128xi32, #tpu.memory_space<hbm>>
      %dma_start3A_35 = tpu.memref_squeeze %dma_start3A_34 : memref<1x40x128xi32, #tpu.memory_space<hbm>> -> memref<40x128xi32, #tpu.memory_space<hbm>>
      tpu.enqueue_dma source(%dma_start3A_35 : memref<40x128xi32, #tpu.memory_space<hbm>>) target(%arg7 : memref<40x128xi32, #tpu.memory_space<vmem>>) target_semaphore(%run_scoped3A : memref<!tpu.dma_semaphore, #tpu.memory_space<semaphore_mem>>)
      %dma_wait3A = arith.constant 40 : i32
      %dma_wait3A_36 = arith.constant 0 : i32
      %dma_wait3A_37 = tpu.memref_slice %arg3[%add3A, %dma_wait3A, %dma_wait3A_36] : memref<32x80x128xi32, #tpu.memory_space<hbm>> -> memref<1x40x128xi32, #tpu.memory_space<hbm>>
      %dma_wait3A_38 = tpu.memref_squeeze %dma_wait3A_37 : memref<1x40x128xi32, #tpu.memory_space<hbm>> -> memref<40x128xi32, #tpu.memory_space<hbm>>
      %dma_wait3A_39 = arith.constant 40 : i32
      %dma_wait3A_40 = arith.constant 0 : i32
      %dma_wait3A_41 = tpu.memref_slice %arg3[%add3A, %dma_wait3A_39, %dma_wait3A_40] : memref<32x80x128xi32, #tpu.memory_space<hbm>> -> memref<1x40x128xi32, #tpu.memory_space<hbm>>
      %dma_wait3A_42 = tpu.memref_squeeze %dma_wait3A_41 : memref<1x40x128xi32, #tpu.memory_space<hbm>> -> memref<40x128xi32, #tpu.memory_space<hbm>>
      tpu.wait_dma2 semaphore(%run_scoped3A : memref<!tpu.dma_semaphore, #tpu.memory_space<semaphore_mem>>) src(%dma_wait3A_42 : memref<40x128xi32, #tpu.memory_space<hbm>>) dst(%arg7 : memref<40x128xi32, #tpu.memory_space<vmem>>)
      tpu.yield
    }) : () -> ()
    "tpu.region"() ({
      %run_scoped3A = tpu.sem_alloc : memref<!tpu.dma_semaphore, #tpu.memory_space<semaphore_mem>>
      %dma_start3A_28 = arith.constant 40 : i32
      %dma_start3A_29 = arith.constant 0 : i32
      %dma_start3A_30 = tpu.memref_slice %arg4[%add3A, %dma_start3A_28, %dma_start3A_29] : memref<32x80x128xi32, #tpu.memory_space<hbm>> -> memref<1x40x128xi32, #tpu.memory_space<hbm>>
      %dma_start3A_31 = tpu.memref_squeeze %dma_start3A_30 : memref<1x40x128xi32, #tpu.memory_space<hbm>> -> memref<40x128xi32, #tpu.memory_space<hbm>>
      %dma_start3A_32 = arith.constant 40 : i32
      %dma_start3A_33 = arith.constant 0 : i32
      %dma_start3A_34 = tpu.memref_slice %arg4[%add3A, %dma_start3A_32, %dma_start3A_33] : memref<32x80x128xi32, #tpu.memory_space<hbm>> -> memref<1x40x128xi32, #tpu.memory_space<hbm>>
      %dma_start3A_35 = tpu.memref_squeeze %dma_start3A_34 : memref<1x40x128xi32, #tpu.memory_space<hbm>> -> memref<40x128xi32, #tpu.memory_space<hbm>>
      tpu.enqueue_dma source(%dma_start3A_35 : memref<40x128xi32, #tpu.memory_space<hbm>>) target(%arg8 : memref<40x128xi32, #tpu.memory_space<vmem>>) target_semaphore(%run_scoped3A : memref<!tpu.dma_semaphore, #tpu.memory_space<semaphore_mem>>)
      %dma_wait3A = arith.constant 40 : i32
      %dma_wait3A_36 = arith.constant 0 : i32
      %dma_wait3A_37 = tpu.memref_slice %arg4[%add3A, %dma_wait3A, %dma_wait3A_36] : memref<32x80x128xi32, #tpu.memory_space<hbm>> -> memref<1x40x128xi32, #tpu.memory_space<hbm>>
      %dma_wait3A_38 = tpu.memref_squeeze %dma_wait3A_37 : memref<1x40x128xi32, #tpu.memory_space<hbm>> -> memref<40x128xi32, #tpu.memory_space<hbm>>
      %dma_wait3A_39 = arith.constant 40 : i32
      %dma_wait3A_40 = arith.constant 0 : i32
      %dma_wait3A_41 = tpu.memref_slice %arg4[%add3A, %dma_wait3A_39, %dma_wait3A_40] : memref<32x80x128xi32, #tpu.memory_space<hbm>> -> memref<1x40x128xi32, #tpu.memory_space<hbm>>
      %dma_wait3A_42 = tpu.memref_squeeze %dma_wait3A_41 : memref<1x40x128xi32, #tpu.memory_space<hbm>> -> memref<40x128xi32, #tpu.memory_space<hbm>>
      tpu.wait_dma2 semaphore(%run_scoped3A : memref<!tpu.dma_semaphore, #tpu.memory_space<semaphore_mem>>) src(%dma_wait3A_42 : memref<40x128xi32, #tpu.memory_space<hbm>>) dst(%arg8 : memref<40x128xi32, #tpu.memory_space<vmem>>)
      tpu.yield
    }) : () -> ()
    %dma_start3A_14 = arith.constant 0 : i32
    %dma_start3A_15 = arith.constant 0 : i32
    %dma_start3A_16 = tpu.memref_slice %arg7[%dma_start3A_14, %dma_start3A_15] : memref<40x128xi32, #tpu.memory_space<vmem>> -> memref<1x128xi32, #tpu.memory_space<vmem>>
    %dma_start3A_17 = tpu.memref_squeeze %dma_start3A_16 : memref<1x128xi32, #tpu.memory_space<vmem>> -> memref<128xi32, #tpu.memory_space<vmem>>
    %dma_start3A_18 = arith.constant 0 : i32
    %dma_start3A_19 = arith.constant 0 : i32
    %dma_start3A_20 = tpu.memref_slice %arg2[%dma_start3A_18, %dma_start3A_19] : memref<10000x128xf32, #tpu.memory_space<hbm>> -> memref<10000x128xf32, #tpu.memory_space<hbm>>
    tpu.enqueue_indirect_dma source(%dma_start3A_20 : memref<10000x128xf32, #tpu.memory_space<hbm>>) target(%arg9 : memref<128x128xf32, #tpu.memory_space<vmem>>) offsets(%dma_start3A_17 : memref<128xi32, #tpu.memory_space<vmem>>) semaphore(%arg12 : memref<!tpu.dma_semaphore, #tpu.memory_space<semaphore_mem>>)
    %scan3A_21 = arith.constant 0 : i32
    %scan3A_22 = arith.constant 0 : i32
    %scan3A_23 = arith.constant 20 : i32
    %scan3A_24 = arith.addi %scan3A_22, %scan3A_23 : i32
    %scan3A_25 = arith.constant 1 : i32
    scf.for %scan3A_28 = %scan3A_22 to %scan3A_24 step %scan3A_25  : i32 {
      %mul3A_29 = arith.constant 2 : i32
      %mul3A_30 = arith.muli %mul3A_29, %scan3A_28 : i32
      %add3A_31 = arith.constant 1 : i32
      %add3A_32 = arith.addi %mul3A_30, %add3A_31 : i32
      %dma_start3A_33 = arith.constant 0 : i32
      %dma_start3A_34 = tpu.memref_slice %arg7[%add3A_32, %dma_start3A_33] : memref<40x128xi32, #tpu.memory_space<vmem>> -> memref<1x128xi32, #tpu.memory_space<vmem>>
      %dma_start3A_35 = tpu.memref_squeeze %dma_start3A_34 : memref<1x128xi32, #tpu.memory_space<vmem>> -> memref<128xi32, #tpu.memory_space<vmem>>
      %dma_start3A_36 = arith.constant 0 : i32
      %dma_start3A_37 = arith.constant 0 : i32
      %dma_start3A_38 = tpu.memref_slice %arg2[%dma_start3A_36, %dma_start3A_37] : memref<10000x128xf32, #tpu.memory_space<hbm>> -> memref<10000x128xf32, #tpu.memory_space<hbm>>
      tpu.enqueue_indirect_dma source(%dma_start3A_38 : memref<10000x128xf32, #tpu.memory_space<hbm>>) target(%arg10 : memref<128x128xf32, #tpu.memory_space<vmem>>) offsets(%dma_start3A_35 : memref<128xi32, #tpu.memory_space<vmem>>) semaphore(%arg13 : memref<!tpu.dma_semaphore, #tpu.memory_space<semaphore_mem>>)
      %dma_wait3A = arith.constant 0 : i32
      %dma_wait3A_39 = tpu.memref_slice %arg7[%mul3A_30, %dma_wait3A] : memref<40x128xi32, #tpu.memory_space<vmem>> -> memref<1x128xi32, #tpu.memory_space<vmem>>
      %dma_wait3A_40 = tpu.memref_squeeze %dma_wait3A_39 : memref<1x128xi32, #tpu.memory_space<vmem>> -> memref<128xi32, #tpu.memory_space<vmem>>
      %dma_wait3A_41 = arith.constant 0 : i32
      %dma_wait3A_42 = arith.constant 0 : i32
      %dma_wait3A_43 = tpu.memref_slice %arg2[%dma_wait3A_41, %dma_wait3A_42] : memref<10000x128xf32, #tpu.memory_space<hbm>> -> memref<10000x128xf32, #tpu.memory_space<hbm>>
      tpu.wait_indirect_dma semaphore(%arg12 : memref<!tpu.dma_semaphore, #tpu.memory_space<semaphore_mem>>) src(%dma_wait3A_43 : memref<10000x128xf32, #tpu.memory_space<hbm>>) dst(%arg9 : memref<128x128xf32, #tpu.memory_space<vmem>>)
      "tpu.region"() ({
        %run_scoped3A = tpu.sem_alloc : memref<!tpu.dma_semaphore, #tpu.memory_space<semaphore_mem>>
        %dma_start3A_56 = arith.constant 0 : i32
        %dma_start3A_57 = tpu.memref_slice %arg8[%mul3A_30, %dma_start3A_56] : memref<40x128xi32, #tpu.memory_space<vmem>> -> memref<1x128xi32, #tpu.memory_space<vmem>>
        %dma_start3A_58 = tpu.memref_squeeze %dma_start3A_57 : memref<1x128xi32, #tpu.memory_space<vmem>> -> memref<128xi32, #tpu.memory_space<vmem>>
        %dma_start3A_59 = arith.constant 0 : i32
        %dma_start3A_60 = arith.constant 0 : i32
        %dma_start3A_61 = tpu.memref_slice %arg11[%dma_start3A_59, %dma_start3A_60] : memref<10112x128xf32, #tpu.memory_space<vmem_shared>> -> memref<10112x128xf32, #tpu.memory_space<vmem_shared>>
        tpu.enqueue_indirect_dma source(%arg9 : memref<128x128xf32, #tpu.memory_space<vmem>>) target(%dma_start3A_61 : memref<10112x128xf32, #tpu.memory_space<vmem_shared>>) offsets(%dma_start3A_58 : memref<128xi32, #tpu.memory_space<vmem>>) semaphore(%run_scoped3A : memref<!tpu.dma_semaphore, #tpu.memory_space<semaphore_mem>>) {add = true}
        %dma_wait3A_62 = arith.constant 0 : i32
        %dma_wait3A_63 = tpu.memref_slice %arg8[%mul3A_30, %dma_wait3A_62] : memref<40x128xi32, #tpu.memory_space<vmem>> -> memref<1x128xi32, #tpu.memory_space<vmem>>
        %dma_wait3A_64 = tpu.memref_squeeze %dma_wait3A_63 : memref<1x128xi32, #tpu.memory_space<vmem>> -> memref<128xi32, #tpu.memory_space<vmem>>
        %dma_wait3A_65 = arith.constant 0 : i32
        %dma_wait3A_66 = arith.constant 0 : i32
        %dma_wait3A_67 = tpu.memref_slice %arg11[%dma_wait3A_65, %dma_wait3A_66] : memref<10112x128xf32, #tpu.memory_space<vmem_shared>> -> memref<10112x128xf32, #tpu.memory_space<vmem_shared>>
        tpu.wait_indirect_dma semaphore(%run_scoped3A : memref<!tpu.dma_semaphore, #tpu.memory_space<semaphore_mem>>) src(%arg9 : memref<128x128xf32, #tpu.memory_space<vmem>>) dst(%dma_wait3A_67 : memref<10112x128xf32, #tpu.memory_space<vmem_shared>>)
        tpu.yield
      }) : () -> ()
      %lt3A = arith.constant 19 : i32
      %lt3A_44 = arith.cmpi slt, %scan3A_28, %lt3A : i32
      %convert_element_type3A = arith.extui %lt3A_44 : i1 to i32
      %cond3A = arith.constant 0 : i32
      %cond3A_45 = arith.cmpi ne, %convert_element_type3A, %cond3A : i32
      scf.if %cond3A_45 {
        %add3A_56 = arith.constant 2 : i32
        %add3A_57 = arith.addi %mul3A_30, %add3A_56 : i32
        %dma_start3A_58 = arith.constant 0 : i32
        %dma_start3A_59 = tpu.memref_slice %arg7[%add3A_57, %dma_start3A_58] : memref<40x128xi32, #tpu.memory_space<vmem>> -> memref<1x128xi32, #tpu.memory_space<vmem>>
        %dma_start3A_60 = tpu.memref_squeeze %dma_start3A_59 : memref<1x128xi32, #tpu.memory_space<vmem>> -> memref<128xi32, #tpu.memory_space<vmem>>
        %dma_start3A_61 = arith.constant 0 : i32
        %dma_start3A_62 = arith.constant 0 : i32
        %dma_start3A_63 = tpu.memref_slice %arg2[%dma_start3A_61, %dma_start3A_62] : memref<10000x128xf32, #tpu.memory_space<hbm>> -> memref<10000x128xf32, #tpu.memory_space<hbm>>
        tpu.enqueue_indirect_dma source(%dma_start3A_63 : memref<10000x128xf32, #tpu.memory_space<hbm>>) target(%arg9 : memref<128x128xf32, #tpu.memory_space<vmem>>) offsets(%dma_start3A_60 : memref<128xi32, #tpu.memory_space<vmem>>) semaphore(%arg12 : memref<!tpu.dma_semaphore, #tpu.memory_space<semaphore_mem>>)
      } else {
      }
      %add3A_46 = arith.constant 1 : i32
      %add3A_47 = arith.addi %mul3A_30, %add3A_46 : i32
      %dma_wait3A_48 = arith.constant 0 : i32
      %dma_wait3A_49 = tpu.memref_slice %arg7[%add3A_47, %dma_wait3A_48] : memref<40x128xi32, #tpu.memory_space<vmem>> -> memref<1x128xi32, #tpu.memory_space<vmem>>
      %dma_wait3A_50 = tpu.memref_squeeze %dma_wait3A_49 : memref<1x128xi32, #tpu.memory_space<vmem>> -> memref<128xi32, #tpu.memory_space<vmem>>
      %dma_wait3A_51 = arith.constant 0 : i32
      %dma_wait3A_52 = arith.constant 0 : i32
      %dma_wait3A_53 = tpu.memref_slice %arg2[%dma_wait3A_51, %dma_wait3A_52] : memref<10000x128xf32, #tpu.memory_space<hbm>> -> memref<10000x128xf32, #tpu.memory_space<hbm>>
      tpu.wait_indirect_dma semaphore(%arg13 : memref<!tpu.dma_semaphore, #tpu.memory_space<semaphore_mem>>) src(%dma_wait3A_53 : memref<10000x128xf32, #tpu.memory_space<hbm>>) dst(%arg10 : memref<128x128xf32, #tpu.memory_space<vmem>>)
      %add3A_54 = arith.constant 1 : i32
      %add3A_55 = arith.addi %mul3A_30, %add3A_54 : i32
      "tpu.region"() ({
        %run_scoped3A = tpu.sem_alloc : memref<!tpu.dma_semaphore, #tpu.memory_space<semaphore_mem>>
        %dma_start3A_56 = arith.constant 0 : i32
        %dma_start3A_57 = tpu.memref_slice %arg8[%add3A_55, %dma_start3A_56] : memref<40x128xi32, #tpu.memory_space<vmem>> -> memref<1x128xi32, #tpu.memory_space<vmem>>
        %dma_start3A_58 = tpu.memref_squeeze %dma_start3A_57 : memref<1x128xi32, #tpu.memory_space<vmem>> -> memref<128xi32, #tpu.memory_space<vmem>>
        %dma_start3A_59 = arith.constant 0 : i32
        %dma_start3A_60 = arith.constant 0 : i32
        %dma_start3A_61 = tpu.memref_slice %arg11[%dma_start3A_59, %dma_start3A_60] : memref<10112x128xf32, #tpu.memory_space<vmem_shared>> -> memref<10112x128xf32, #tpu.memory_space<vmem_shared>>
        tpu.enqueue_indirect_dma source(%arg10 : memref<128x128xf32, #tpu.memory_space<vmem>>) target(%dma_start3A_61 : memref<10112x128xf32, #tpu.memory_space<vmem_shared>>) offsets(%dma_start3A_58 : memref<128xi32, #tpu.memory_space<vmem>>) semaphore(%run_scoped3A : memref<!tpu.dma_semaphore, #tpu.memory_space<semaphore_mem>>) {add = true}
        %dma_wait3A_62 = arith.constant 0 : i32
        %dma_wait3A_63 = tpu.memref_slice %arg8[%add3A_55, %dma_wait3A_62] : memref<40x128xi32, #tpu.memory_space<vmem>> -> memref<1x128xi32, #tpu.memory_space<vmem>>
        %dma_wait3A_64 = tpu.memref_squeeze %dma_wait3A_63 : memref<1x128xi32, #tpu.memory_space<vmem>> -> memref<128xi32, #tpu.memory_space<vmem>>
        %dma_wait3A_65 = arith.constant 0 : i32
        %dma_wait3A_66 = arith.constant 0 : i32
        %dma_wait3A_67 = tpu.memref_slice %arg11[%dma_wait3A_65, %dma_wait3A_66] : memref<10112x128xf32, #tpu.memory_space<vmem_shared>> -> memref<10112x128xf32, #tpu.memory_space<vmem_shared>>
        tpu.wait_indirect_dma semaphore(%run_scoped3A : memref<!tpu.dma_semaphore, #tpu.memory_space<semaphore_mem>>) src(%arg10 : memref<128x128xf32, #tpu.memory_space<vmem>>) dst(%dma_wait3A_67 : memref<10112x128xf32, #tpu.memory_space<vmem_shared>>)
        tpu.yield
      }) : () -> ()
    }
    %scan3A_26 = arith.constant 20 : i32
    %barrier3A_27 = arith.constant 0 : index
    tpu.barrier barrier_id(%barrier3A_27)
    "tpu.region"() ({
      %run_scoped3A = tpu.sem_alloc : memref<!tpu.dma_semaphore, #tpu.memory_space<semaphore_mem>>
      %dma_start3A_28 = arith.constant 0 : i32
      %dma_start3A_29 = tpu.memref_slice %arg6[%arg0, %mul3A_2, %dma_start3A_28] : memref<2x10112x128xf32, #tpu.memory_space<hbm>> -> memref<1x632x128xf32, #tpu.memory_space<hbm>>
      %dma_start3A_30 = tpu.memref_squeeze %dma_start3A_29 : memref<1x632x128xf32, #tpu.memory_space<hbm>> -> memref<632x128xf32, #tpu.memory_space<hbm>>
      %dma_start3A_31 = arith.constant 0 : i32
      %dma_start3A_32 = tpu.memref_slice %arg11[%mul3A_2, %dma_start3A_31] : memref<10112x128xf32, #tpu.memory_space<vmem_shared>> -> memref<632x128xf32, #tpu.memory_space<vmem_shared>>
      tpu.enqueue_dma source(%dma_start3A_32 : memref<632x128xf32, #tpu.memory_space<vmem_shared>>) target(%dma_start3A_30 : memref<632x128xf32, #tpu.memory_space<hbm>>) target_semaphore(%run_scoped3A : memref<!tpu.dma_semaphore, #tpu.memory_space<semaphore_mem>>)
      %dma_wait3A = arith.constant 0 : i32
      %dma_wait3A_33 = tpu.memref_slice %arg6[%arg0, %mul3A_2, %dma_wait3A] : memref<2x10112x128xf32, #tpu.memory_space<hbm>> -> memref<1x632x128xf32, #tpu.memory_space<hbm>>
      %dma_wait3A_34 = tpu.memref_squeeze %dma_wait3A_33 : memref<1x632x128xf32, #tpu.memory_space<hbm>> -> memref<632x128xf32, #tpu.memory_space<hbm>>
      %dma_wait3A_35 = arith.constant 0 : i32
      %dma_wait3A_36 = tpu.memref_slice %arg11[%mul3A_2, %dma_wait3A_35] : memref<10112x128xf32, #tpu.memory_space<vmem_shared>> -> memref<632x128xf32, #tpu.memory_space<vmem_shared>>
      tpu.wait_dma2 semaphore(%run_scoped3A : memref<!tpu.dma_semaphore, #tpu.memory_space<semaphore_mem>>) src(%dma_wait3A_36 : memref<632x128xf32, #tpu.memory_space<vmem_shared>>) dst(%dma_wait3A_34 : memref<632x128xf32, #tpu.memory_space<hbm>>)
      tpu.yield
    }) : () -> ()
    return
  }
}

module attributes {stable_mosaic.version = 14 : i64} {
  func.func @_mlp_body(%arg0: i32, %arg1: memref<1xf32, #tpu.memory_space<smem>>, %arg2: memref<2000x128xf32, #tpu.memory_space<vmem>>, %arg3: memref<2x2000x128xf32, #tpu.memory_space<vmem>>, %arg4: memref<128x128xf32, #tpu.memory_space<vmem>>, %arg5: memref<1x128xf32, #tpu.memory_space<vmem>>, %arg6: memref<128x128xf32, #tpu.memory_space<vmem>>, %arg7: memref<1x128xf32, #tpu.memory_space<vmem>>, %arg8: memref<2000x128xf32, #tpu.memory_space<vmem>>) attributes {dimension_semantics = [#tpu.dimension_semantics<arbitrary>], iteration_bounds = array<i64: 5>, scalar_prefetch = 0 : i64, scratch_operands = 0 : i64, tpu.core_type = #tpu.core_type<tc>, window_params = [{transform_indices = @transform_0, window_bounds = array<i64: 1>}, {transform_indices = @transform_1, window_bounds = array<i64: 2000, 128>}, {transform_indices = @transform_2, window_bounds = array<i64: 2, 2000, 128>}, {pipeline_mode = #tpu.pipeline_mode<synchronous>, transform_indices = @transform_3, window_bounds = array<i64: 128, 128>}, {pipeline_mode = #tpu.pipeline_mode<synchronous>, transform_indices = @transform_4, window_bounds = array<i64: 1, 128>}, {pipeline_mode = #tpu.pipeline_mode<synchronous>, transform_indices = @transform_5, window_bounds = array<i64: 128, 128>}, {pipeline_mode = #tpu.pipeline_mode<synchronous>, transform_indices = @transform_6, window_bounds = array<i64: 1, 128>}, {transform_indices = @transform_7, window_bounds = array<i64: 2000, 128>}]} {
    %get3A = arith.constant 0 : index
    %get3A_0 = memref.load %arg1[%get3A] : memref<1xf32, #tpu.memory_space<smem>>
    %add3A = arith.constant 1.000000e+00 : f32
    %add3A_1 = arith.addf %add3A, %get3A_0 : f32
    %get3A_2 = arith.constant 0 : index
    %get3A_3 = arith.constant 0 : index
    %get3A_4 = vector.load %arg2[%get3A_2, %get3A_3] : memref<2000x128xf32, #tpu.memory_space<vmem>>, vector<2000x128xf32>
    %mul3A = vector.broadcast %add3A_1 : f32 to vector<2000x128xf32>
    %mul3A_5 = arith.mulf %mul3A, %get3A_4 : vector<2000x128xf32>
    %get3A_6 = arith.constant 0 : index
    %get3A_7 = arith.constant 0 : index
    %get3A_8 = arith.constant 0 : index
    %get3A_9 = vector.load %arg3[%get3A_6, %get3A_7, %get3A_8] : memref<2x2000x128xf32, #tpu.memory_space<vmem>>, vector<1x2000x128xf32>
    %get3A_10 = vector.shape_cast %get3A_9 : vector<1x2000x128xf32> to vector<2000x128xf32>
    %add3A_11 = arith.addf %mul3A_5, %get3A_10 : vector<2000x128xf32>
    %get3A_12 = arith.constant 1 : index
    %get3A_13 = arith.constant 0 : index
    %get3A_14 = arith.constant 0 : index
    %get3A_15 = vector.load %arg3[%get3A_12, %get3A_13, %get3A_14] : memref<2x2000x128xf32, #tpu.memory_space<vmem>>, vector<1x2000x128xf32>
    %get3A_16 = vector.shape_cast %get3A_15 : vector<1x2000x128xf32> to vector<2000x128xf32>
    %add3A_17 = arith.addf %add3A_11, %get3A_16 : vector<2000x128xf32>
    %get3A_18 = arith.constant 0 : index
    %get3A_19 = arith.constant 0 : index
    %get3A_20 = vector.load %arg4[%get3A_18, %get3A_19] : memref<128x128xf32, #tpu.memory_space<vmem>>, vector<128x128xf32>
    %dot_general3A = arith.constant dense<0.000000e+00> : vector<2000x128xf32>
    %dot_general3A_21 = tpu.matmul %add3A_17, %get3A_20, %dot_general3A {dimension_numbers = #tpu.dot_dimension_numbers<[1], [0], [0], [1], [0, 0, 1, 1], [], []>, transpose_lhs_hint = false} : vector<2000x128xf32>, vector<128x128xf32>, vector<2000x128xf32> -> vector<2000x128xf32>
    %get3A_22 = arith.constant 0 : index
    %get3A_23 = arith.constant 0 : index
    %get3A_24 = vector.load %arg5[%get3A_22, %get3A_23] : memref<1x128xf32, #tpu.memory_space<vmem>>, vector<1x128xf32>
    %add3A_25 = vector.broadcast %get3A_24 : vector<1x128xf32> to vector<2000x128xf32>
    %add3A_26 = arith.addf %dot_general3A_21, %add3A_25 : vector<2000x128xf32>
    %max3A = arith.constant 0.000000e+00 : f32
    %max3A_27 = vector.broadcast %max3A : f32 to vector<2000x128xf32>
    %max3A_28 = arith.maximumf %add3A_26, %max3A_27 : vector<2000x128xf32>
    %get3A_29 = arith.constant 0 : index
    %get3A_30 = arith.constant 0 : index
    %get3A_31 = vector.load %arg6[%get3A_29, %get3A_30] : memref<128x128xf32, #tpu.memory_space<vmem>>, vector<128x128xf32>
    %dot_general3A_32 = arith.constant dense<0.000000e+00> : vector<2000x128xf32>
    %dot_general3A_33 = tpu.matmul %max3A_28, %get3A_31, %dot_general3A_32 {dimension_numbers = #tpu.dot_dimension_numbers<[1], [0], [0], [1], [0, 0, 1, 1], [], []>, transpose_lhs_hint = false} : vector<2000x128xf32>, vector<128x128xf32>, vector<2000x128xf32> -> vector<2000x128xf32>
    %get3A_34 = arith.constant 0 : index
    %get3A_35 = arith.constant 0 : index
    %get3A_36 = vector.load %arg7[%get3A_34, %get3A_35] : memref<1x128xf32, #tpu.memory_space<vmem>>, vector<1x128xf32>
    %add3A_37 = vector.broadcast %get3A_36 : vector<1x128xf32> to vector<2000x128xf32>
    %add3A_38 = arith.addf %dot_general3A_33, %add3A_37 : vector<2000x128xf32>
    %swap3A = arith.constant 0 : index
    %swap3A_39 = arith.constant 0 : index
    %swap3A_40 = vector.load %arg8[%swap3A, %swap3A_39] : memref<2000x128xf32, #tpu.memory_space<vmem>>, vector<2000x128xf32>
    tpu.vector_store %arg8[%swap3A, %swap3A_39], %add3A_38 {strides = array<i32>} : memref<2000x128xf32, #tpu.memory_space<vmem>>, vector<2000x128xf32>,
    return
  }
  func.func @transform_0(%arg0: i32) -> i32 {
    %c0_i32 = arith.constant 0 : i32
    %c0_i32_0 = arith.constant 0 : i32
    return %c0_i32 : i32
  }
  func.func @transform_1(%arg0: i32) -> (i32, i32) {
    %c0_i32 = arith.constant 0 : i32
    %c0_i32_0 = arith.constant 0 : i32
    return %arg0, %c0_i32 : i32, i32
  }
  func.func @transform_2(%arg0: i32) -> (i32, i32, i32) {
    %c0_i32 = arith.constant 0 : i32
    %c0_i32_0 = arith.constant 0 : i32
    %c0_i32_1 = arith.constant 0 : i32
    return %c0_i32, %arg0, %c0_i32_0 : i32, i32, i32
  }
  func.func @transform_3(%arg0: i32) -> (i32, i32) {
    %c0_i32 = arith.constant 0 : i32
    %c0_i32_0 = arith.constant 0 : i32
    %c0_i32_1 = arith.constant 0 : i32
    return %c0_i32, %c0_i32_0 : i32, i32
  }
  func.func @transform_4(%arg0: i32) -> (i32, i32) {
    %c0_i32 = arith.constant 0 : i32
    %c0_i32_0 = arith.constant 0 : i32
    %c0_i32_1 = arith.constant 0 : i32
    return %c0_i32, %c0_i32_0 : i32, i32
  }
  func.func @transform_5(%arg0: i32) -> (i32, i32) {
    %c0_i32 = arith.constant 0 : i32
    %c0_i32_0 = arith.constant 0 : i32
    %c0_i32_1 = arith.constant 0 : i32
    return %c0_i32, %c0_i32_0 : i32, i32
  }
  func.func @transform_6(%arg0: i32) -> (i32, i32) {
    %c0_i32 = arith.constant 0 : i32
    %c0_i32_0 = arith.constant 0 : i32
    %c0_i32_1 = arith.constant 0 : i32
    return %c0_i32, %c0_i32_0 : i32, i32
  }
  func.func @transform_7(%arg0: i32) -> (i32, i32) {
    %c0_i32 = arith.constant 0 : i32
    %c0_i32_0 = arith.constant 0 : i32
    return %arg0, %c0_i32 : i32, i32
  }
}

</mosaic_0001>

<sc_bundles>
// kernel: kernel.4.cloned.1.call-start
scs
__scs_entry_jumppad:
0x0: {  	(pc) =	sbr.rel $0x88, $3  }
0x1: {  	(tag) =	ssettag $0x0;
	lr =	simm.s32 $0x1  }
0x2: {  	[smem:$0x3F9A] =	sst lr;
	_ =	strace $0xD0000000  }
0x3: {  	_ = 	snop  }
0x4: {  	_ = 	snop  }
0x5: {  	_ = 	snop  }
0x6: {  	_ = 	snop  }
0x7: {  	_ = 	snop  }
__scs_overlays_trampoline_lowered:
0x8: {  	[smem:$0x3FA9] =	sst s0  }
0x9: {  	[smem:$0x3FAA] =	sst s1  }
0xa: {  	[smem:$0x3FAB] =	sst s2  }
0xb: {  	[smem:$0x3FAC] =	sst s3  }
0xc: {  	[smem:$0x3FAD] =	sst s4  }
0xd: {  	[smem:$0x3FAE] =	sst s5  }
0xe: {  	[smem:$0x3FAF] =	sst s6  }
0xf: {  	[smem:$0x3FB0] =	sst s7  }
0x10: {  	[smem:$0x3FB1] =	sst s8  }
0x11: {  	[smem:$0x3FB2] =	sst s9;
	s0 =	simm.s32 @!p0 $0x0  }
0x12: {  	s1 =	sld [smem:$0x3F98];
	s0 =	simm.s32 @p0 $0x1  }
0x13: {  	[smem:$0x3FB3] =	sst s0;
	s0 =	simm.s32 @!p1 $0x0  }
0x14: {  	s2 =	sld [smem:$0x3F97];
	s0 =	simm.s32 @p1 $0x1  }
0x15: {  	[smem:$0x3FB4] =	sst s0;
	s0 =	simm.s32 @!p2 $0x0  }
0x16: {  	s3 =	sld [smem:$0x3FDB];
	s0 =	simm.s32 @p2 $0x1  }
0x17: {  	s4 =	simm.s32 $0x1BF5;
	[smem:$0x3FB6] =	sst s0  }
0x18: {  	s0 =	sld [smem:$0x3F99];
	_ =	swait.ge [sflag:s4], $0x0  }
0x19: {  	s7 =	sld [smem:$0x3F9A]  }
0x1a: {  	s8 =	sadd.s32 $0xFFFFE003, lr  }
0x1b: {  	s9 =	sadd.s32 $0xFFFFFEF7, lr;
	s5 =	simm.s32 $0xFFFFFFFF;
	p2 =	slt.u32 s8, $0xFFFFF086  }
0x1c: {  	p1 =	slt.u32 s9, $0xF7A;
	s5 =	simm.s32 @!p2 $0x0  }
0x1d: {  	s5 =	simm.s32 @p1 $0x1;
	p0 =	seq.s32 s7, s2  }
0x1e: {  	s7 =	smul.u32 @!p0 $0xF7A, s2;
	p2 =	seq.s32 @!p0 s5, $0x0  }
0x1f: {  	s9 =	smul.u32 $0xF7A, s1;
	s8 =	simm.s32 @!p0 $0x1BF5;
	p2 =	por !p2, p0  }
0x20: {  	[sflag:s8] =	ssyncset.s32 @!p0 $0xFFFFF086;
	s6 =	sadd.s32 @!p0 s3, s7;
	s7 =	simm.s32 @!p0 $0x108  }
0x21: {  	s3 =	sadd.s32 s3, s9;
	s6 =	sadd.s32 @!p0 $0x88, s6;
	s7 =	simm.s32 @p2 $0x1082  }
0x22: {  	[simem:s7], [sflag:s8] =	dma.local @!p0 [hbm:s6], $0xF7A  }
0x23: {  	s9 =	sor.u32 $0xD0000000, s2;
	s6 =	simm.s32 $0x108;
	_ =	swait.ge @!p0 [sflag:s8], $0x0  }
0x24: {  	s3 =	sadd.s32 $0x88, s3;
	s6 =	simm.s32 @!p1 $0x1082;
	[sflag:s4] =	ssyncset.s32 $0xFFFFF086  }
0x25: {  	[simem:s6], [sflag:s4] =	dma.local [hbm:s3], $0xF7A  }
0x26: {  	[smem:$0x3F9A] =	sst s1;
	(tag) =	ssettag s2;
	_ =	strace s9  }
0x27: {  	s1 =	sld [smem:$0x3FAA]  }
0x28: {  	s2 =	sld [smem:$0x3FAB]  }
0x29: {  	s4 =	sld [smem:$0x3FAD]  }
0x2a: {  	p0 =	seq.s32 s5, $0x0;
	s5 =	sld [smem:$0x3FAE]  }
0x2b: {  	s6 =	sld [smem:$0x3FAF]  }
0x2c: {  	s7 =	sld [smem:$0x3FB0]  }
0x2d: {  	s3 =	simm.s32 $0x108;
	s8 =	sld [smem:$0x3FB1]  }
0x2e: {  	s3 =	simm.s32 @!p0 $0x1082;
	s9 =	sld [smem:$0x3FB2]  }
0x2f: {  	lr =	sadd.s32 s0, s3;
	s0 =	sld [smem:$0x3FA9]  }
0x30: {  	s3 =	sld [smem:$0x3FAC]  }
0x31: {  	[smem:$0x3FB5] =	sst s10  }
0x32: {  	s10 =	sld [smem:$0x3FB3];
	_ =	sdelay $0x3  }
0x33: {  	p0 =	seq.s32 s10, $0x1;
	s10 =	sld [smem:$0x3FB5];
	_ =	sdelay $0x3  }
0x34: {  	[smem:$0x3FB5] =	sst s10  }
0x35: {  	s10 =	sld [smem:$0x3FB4];
	_ =	sdelay $0x3  }
0x36: {  	p1 =	seq.s32 s10, $0x1;
	s10 =	sld [smem:$0x3FB5];
	_ =	sdelay $0x3  }
0x37: {  	[smem:$0x3FB5] =	sst s10  }
0x38: {  	s10 =	sld [smem:$0x3FB6]  }
0x39: {  	_ = 	snop;
	(pc) =	sbr.ind lr, $3  }
0x3a: {  	_ = 	snop  }
0x3b: {  	_ = 	snop  }
0x3c: {  	p2 =	seq.s32 s10, $0x1;
	s10 =	sld [smem:$0x3FB5]  }
0x3d: {  	_ =	shalt  }
0x3e: {  	_ =	shalt  }
0x3f: {  	_ =	shalt  }
0x40: {  	_ =	shalt  }
0x41: {  	_ =	shalt  }
0x42: {  	_ =	shalt  }
0x43: {  	_ =	shalt  }
0x44: {  	_ =	shalt  }
0x45: {  	_ =	shalt  }
0x46: {  	_ =	shalt  }
0x47: {  	_ =	shalt  }
0x48: {  	_ =	shalt  }
0x49: {  	_ =	shalt  }
0x4a: {  	_ =	shalt  }
0x4b: {  	_ =	shalt  }
0x4c: {  	_ =	shalt  }
0x4d: {  	_ =	shalt  }
0x4e: {  	_ =	shalt  }
0x4f: {  	_ =	shalt  }
0x50: {  	_ =	shalt  }
0x51: {  	_ =	shalt  }
0x52: {  	_ =	shalt  }
0x53: {  	_ =	shalt  }
0x54: {  	_ =	shalt  }
0x55: {  	_ =	shalt  }
0x56: {  	_ =	shalt  }
0x57: {  	_ =	shalt  }
0x58: {  	_ =	shalt  }
0x59: {  	_ =	shalt  }
0x5a: {  	_ =	shalt  }
0x5b: {  	_ =	shalt  }
0x5c: {  	_ =	shalt  }
0x5d: {  	_ =	shalt  }
0x5e: {  	_ =	shalt  }
0x5f: {  	_ =	shalt  }
0x60: {  	_ =	shalt  }
0x61: {  	_ =	shalt  }
0x62: {  	_ =	shalt  }
0x63: {  	_ =	shalt  }
0x64: {  	_ =	shalt  }
0x65: {  	_ =	shalt  }
0x66: {  	_ =	shalt  }
0x67: {  	_ =	shalt  }
0x68: {  	_ =	shalt  }
0x69: {  	_ =	shalt  }
0x6a: {  	_ =	shalt  }
0x6b: {  	_ =	shalt  }
0x6c: {  	_ =	shalt  }
0x6d: {  	_ =	shalt  }
0x6e: {  	_ =	shalt  }
0x6f: {  	_ =	shalt  }
0x70: {  	_ =	shalt  }
0x71: {  	_ =	shalt  }
0x72: {  	_ =	shalt  }
0x73: {  	_ =	shalt  }
0x74: {  	_ =	shalt  }
0x75: {  	_ =	shalt  }
0x76: {  	_ =	shalt  }
0x77: {  	_ =	shalt  }
0x78: {  	_ =	shalt  }
0x79: {  	_ =	shalt  }
0x7a: {  	_ =	shalt  }
0x7b: {  	_ =	shalt  }
0x7c: {  	_ =	shalt  }
0x7d: {  	_ =	shalt  }
0x7e: {  	_ =	shalt  }
0x7f: {  	_ =	shalt  }
0x80: {  	_ =	shalt  }
0x81: {  	_ =	shalt  }
0x82: {  	_ =	shalt  }
0x83: {  	_ =	shalt  }
0x84: {  	_ =	shalt  }
0x85: {  	_ =	shalt  }
0x86: {  	_ =	shalt  }
0x87: {  	_ =	shalt  }
.Lfunc_end0:
.L_simem_size_0:
called_computation_lowered:
.L_overlay_start_0:
0x88: {  	s2 =	sld [smem:$0x3FD9]  }
0x89: {  	s3 =	sld [smem:$0x3FFE];
	_ =	sdelay $0x1  }
0x8a: {  	s1 =	srdreg.scid  }
0x8b: {  	s0 =	sand.u32 $0x1, s1  }
0x8c: {  	s17 =	sshll.u32 s0, $0xA;
	s2 =	sadd.s32 s3, s2  }
0x8d: {  	s2 =	sadd.s32 s2, s17  }
0x8e: {  	[smem:$0x3FC1] =	sst s2  }
0x8f: {  	_ = 	snop  }
0x90: {  	s2 =	sld [smem:$0x3FC9]  }
0x91: {  	s18 =	sld [smem:$0x3FD0];
	(tm) =	ssettm $0x1  }
0x92: {  	s4 =	sld [smem:$0x3FFB];
	_ =	sdelay $0x3  }
0x93: {  	_ =	strace s4  }
0x94: {  	s4 =	sld [smem:$0x3FFC];
	_ =	sdelay $0x3  }
0x95: {  	_ =	strace s4  }
0x96: {  	s4 =	sld [smem:$0x3FFD];
	_ =	sdelay $0x3  }
0x97: {  	_ =	strace s4  }
0x98: {  	_ =	strace $0x8FFFFFFF  }
0x99: {  	s19 =	sld [smem:$0x3FDB];
	_ =	sdelay $0x1  }
0x9a: {  	s5 =	simm.s32 $_scs_section_size  }
0x9b: {  	s6 =	simm.s32 $_size__tile_overlayer_lowered;
	s7 =	simm.s32 $_tile_overlayer_lowered  }
0x9c: {  	s22 =	simm.s32 $0x1BFF;
	s21 =	sshll.u32 s7, $0x1;
	s4 =	sadd.s32 s5, s19  }
0x9d: {  	s8 =	simm.s32 $0x0;
	s20 =	sshll.u32 s6, $0x1;
	s6 =	sadd.s32 s21, s4  }
0x9e: {  	[timem:s8], [sflag:s22] =	dma.local [hbm:s6], s20  }
0x9f: {  	_ =	swait.ge [sflag:s22], s20  }
0xa0: {  	s5 =	ssub.s32 $0x0, s20;
	[sflag:s22] =	ssyncset.done $0x0  }
0xa1: {  	[sflag:s22] =	ssyncadd.s32 s5;
	_ =	sdelay $0x1  }
0xa2: {  	s23 =	simm.s32 $0x1B8B  }
0xa3: {  	_ =	swait.ge [sflag:s23], $0x1  }
0xa4: {  	[sflag:s23] =	ssyncset.done $0x0  }
0xa5: {  	s25 =	simm.s32 $0x1B8E;
	s24 =	sld [smem:$0x3FFE];
	[sflag:s23] =	ssyncadd.s32 $0xFFFFFFFF  }
0xa6: {  	s26 =	simm.s32 $execute0_lowered;
	[smem:$0x3FD2] =	sst s25  }
0xa7: {  	s6 =	sshll.u32 s26, $0x1;
	_ =	strace $0x80000046;
	[dreg:$0x1] =	wrdreg $0xFFFFFFFF  }
0xa8: {  	s28 =	simm.s32 $_size_execute0_lowered;
	s4 =	sadd.s32 s4, s6;
	[dreg:$0x0] =	wrdreg $0x0  }
0xa9: {  	s6 =	sshll.u32 s28, $0x1;
	[dreg:$0x2] =	wrdreg s4  }
0xaa: {  	[dreg:$0x3] =	wrdreg s6  }
0xab: {  	[dreg:$0x4] =	wrdreg $0xC0  }
0xac: {  	_ =	task [dreg:s8], $0x5FFFF  }
0xad: {  	[dreg:$0x1] =	wrdreg $0xFFFFFFFF  }
0xae: {  	[dreg:$0x0] =	wrdreg $0x60  }
0xaf: {  	[dreg:$0x2] =	wrdreg s2  }
0xb0: {  	[dreg:$0x3] =	wrdreg s18  }
0xb1: {  	[dreg:$0x4] =	wrdreg s24  }
0xb2: {  	[dreg:$0x5] =	wrdreg $0xA8000  }
0xb3: {  	[dreg:$0x6] =	wrdreg $0x9  }
0xb4: {  	_ =	task.clear_ibuf [dreg:s8], $0x7FFFF;
	_ =	strace $0x90000046  }
0xb5: {  	s29 =	simm.s32 $0x9;
	_ =	strace $0x80000048  }
0xb6: {  	_ =	swait.ge [sflag:s29], $0x1  }
0xb7: {  	[sflag:s29] =	ssyncadd.s32 $0xFFFFFFFF  }
0xb8: {  	_ =	strace $0x90000048  }
0xb9: {  	_ =	sfence  }
0xba: {  	s30 =	sld [smem:$0x0];
	_ =	sdelay $0x2  }
0xbb: {  	s31 =	sshll.u32 s1, $0xD;
	s1 =	sshrl.u32 s1, $0x2  }
0xbc: {  	s3 =	sand.u32 $0x4000, s31;
	s1 =	sadd.s32 s1, s30  }
0xbd: {  	s0 =	sor.u32 s3, s0;
	s1 =	sshll.u32 s1, $0x11  }
0xbe: {  	s0 =	sor.u32 s1, s0  }
0xbf: {  	s0 =	sadd.s32 $0x8F2B, s0  }
0xc0: {  	[sflag:s0] =	ssyncadd.remote.s32 $0x1  }
0xc1: {  	_ =	sfence.sel $0xFFFF  }
0xc2: {  	[dreg:$0x0] =	wrdreg $0xFFFFFFFF;
	(pc) =	sbr.abs _section_cstart, $3  }
0xc3: {  	[dreg:$0x1] =	wrdreg $0xFFFFFFFF  }
0xc4: {  	_ =	task.clear_ibuf [dreg:s8], $0x2FFFF;
	_ =	strace $0x9FFFFFFF  }
0xc5: {  	(tm) =	ssettm $0x7FFFFFFF  }
tec
execute0_lowered:
.L_overlay_start_1:
0x0: {  	(tag) =	ssettag $0x1  }
0x1: {  	s1 =	rddreg [dreg:$0x0]  }
0x2: {  	s9 =	rddreg [dreg:$0x1]  }
0x3: {  	s6 =	rddreg [dreg:$0x2]  }
0x4: {  	s2 =	rddreg [dreg:$0x3]  }
0x5: {  	s3 =	srdreg.scid;
	s0 =	rddreg [dreg:$0x4];
	s4 =	simm.s32 $0x0  }
0x6: {  	s15 =	simm.s32 $0x1400;
	s16 =	simm.s32 $0x80;
	s17 =	simm.s32 $0x2800  }
0x7: {  	s18 =	simm.s32 $0x6800;
	s19 =	simm.s32 $0x1;
	s20 =	simm.s32 $0x2  }
0x8: {  	s21 =	simm.s32 $0x1380;
	s5 =	sand.u32 $0x1, s3;
	s3 =	stileid.u32  }
0x9: {  	s22 =	simm.s32 $0x2700;
	[smem:$0x7FF] =	sst s4;
	s7 =	smul.u32 $0x13C000, s5  }
0xa: {  	s10 =	sadd.s32 $0x1000, s6;
	s8 =	smul.u32 $0x13C00, s3;
	_ =	strace $0x80000047  }
0xb: {  	s23 =	sshll.u32 s5, $0x4;
	s11 =	ssub.s32 $0x2, s5;
	s25 =	smul.u32 $0x4F000, s3  }
0xc: {  	s5 =	sadd.s32 $0xB000, s6;
	s28 =	sshll.u32 s3, $0x6;
	s24 =	sor.u32 s3, s23  }
0xd: {  	s12 =	sshrl.u32 s11, $0x1;
	s23 =	simm.s32 $0x2780;
	s7 =	sadd.s32 s8, s7  }
0xe: {  	s13 =	smul.u32 $0x2800, s24;
	s12 =	ssub.s32 s11, s12;
	s26 =	sshrl.u32 s25, $0x2  }
0xf: {  	s24 =	simm.s32 $0x0;
	s7 =	sshrl.u32 s7, $0x3;
	s30 =	sadd.s32 s26, s2  }
0x10: {  	s12 =	smax.u32 s12, $0x1;
	s14 =	sadd.s32 s7, s6;
	s29 =	sshrl.u32 s13, $0x3  }
0x11: {  	s6 =	sor.u32 $0x1C03, s28;
	s13 =	sshrl.u32 s30, $0x3;
	s31 =	sadd.s32 $0x280, s29  }
0x12: {  	s7 =	sadd.s32 s9, s29;
	s8 =	sadd.s32 s10, s29;
	s11 =	sadd.s32 $0xD800, s14  }
0x13: {  	s14 =	simm.s32 $0x3;
	s9 =	sadd.s32 s9, s31;
	s10 =	sadd.s32 s10, s31  }
.LBB2_1:
0x14: {  	[spmem:s13], [sflag:s6] =	dma.local [hbm:s5], $0x2780  }
0x15: {  	_ =	swait.ge [sflag:s14], $0x2780  }
0x16: {  	[sflag:s14] =	ssyncset.done $0x0  }
0x17: {  	[sflag:s14] =	ssyncadd.s32 $0xFFFFD880  }
0x18: {  	[bflag:$0x0] =	sbarrier.arrive $0xFFFF  }
0x19: {  	[tilespmem:s4], [sflag:$0x3] =	stream.linear.gather [hbm4b:s7+s4], $0x1400, $0x38;
	[tilespmem:$0x1E400] =	vst v63  }
0x1a: {  	_ =	swait.ge [sflag:s14], $0x1400  }
0x1b: {  	[sflag:s14] =	ssyncset.done $0x0  }
0x1c: {  	[sflag:s14] =	ssyncadd.s32 $0xFFFFEC00  }
0x1d: {  	[tilespmem:s15], [sflag:$0x3] =	stream.linear.gather [hbm4b:s8+s4], $0x1400, $0x38;
	[tilespmem:$0x1E400] =	vst v63  }
0x1e: {  	_ =	swait.ge [sflag:s14], $0x1400  }
0x1f: {  	[sflag:s14] =	ssyncset.done $0x0  }
0x20: {  	[sflag:s14] =	ssyncadd.s32 $0xFFFFEC00  }
0x21: {  	[tilespmem:s17], [sflag:$0x1] =	stream.indirect.gather [hbm4b:s1+s16], $0x80, s4, s16, $0xb8;
	[tilespmem:$0x1E400] =	vst v63  }
0x22: {  	s25 =	simm.s32 $0x80  }
0x23: {  	[tilespmem:s18], [sflag:$0x2] =	stream.indirect.gather [hbm4b:s1+s16], $0x80, s25, s16, $0xb8;
	[tilespmem:$0x1E400] =	vst v63  }
0x24: {  	_ =	swait.ge [sflag:s19], $0x4000  }
0x25: {  	[sflag:s19] =	ssyncset.done $0x0  }
0x26: {  	s29 =	simm.s32 $0x1400;
	[sflag:s19] =	ssyncadd.s32 $0xFFFFC000  }
0x27: {  	[spmem:s2] =	stream.indirect.scatter.add.f32 [tilespmem:s17], [sflag:$0x3], $0x80, s29, s16, $0xb8;
	[tilespmem:$0x1E400] =	vst v63  }
0x28: {  	_ =	swait.ge [sflag:s14], $0x4000  }
0x29: {  	[sflag:s14] =	ssyncset.done $0x0  }
0x2a: {  	s30 =	simm.s32 $0x100;
	[sflag:s14] =	ssyncadd.s32 $0xFFFFC000  }
0x2b: {  	[tilespmem:s17], [sflag:$0x1] =	stream.indirect.gather [hbm4b:s1+s16], $0x80, s30, s16, $0xb8;
	[tilespmem:$0x1E400] =	vst v63  }
0x2c: {  	_ =	swait.ge [sflag:s20], $0x4000  }
0x2d: {  	[sflag:s20] =	ssyncset.done $0x0  }
0x2e: {  	s31 =	simm.s32 $0x1480;
	[sflag:s20] =	ssyncadd.s32 $0xFFFFC000  }
0x2f: {  	[spmem:s2] =	stream.indirect.scatter.add.f32 [tilespmem:s18], [sflag:$0x3], $0x80, s31, s16, $0xb8;
	[tilespmem:$0x1E400] =	vst v63  }
0x30: {  	_ =	swait.ge [sflag:s14], $0x4000  }
0x31: {  	s26 =	simm.s32 $0x800;
	s25 =	simm.s32 $0x100;
	[sflag:s14] =	ssyncset.done $0x0  }
.LBB2_2:
0x32: {  	s28 =	sadd.s32 $0x80, s25  }
0x33: {  	[sflag:s14] =	ssyncadd.s32 $0xFFFFC000;
	s29 =	smov.u32 s26;
	s30 =	sadd.s32 $0x400, s26  }
0x34: {  	[tilespmem:s18], [sflag:$0x2] =	stream.indirect.gather [hbm4b:s1+s16], $0x80, s28, s16, $0xb8;
	[tilespmem:$0x1E400] =	vst v63  }
0x35: {  	p0 =	sne.s32 s26, $0x4800;
	_ =	swait.ge [sflag:s19], $0x4000  }
0x36: {  	[sflag:s19] =	ssyncset.done $0x0  }
0x37: {  	s26 =	sadd.s32 $0x1400, s25;
	[sflag:s19] =	ssyncadd.s32 $0xFFFFC000  }
0x38: {  	[spmem:s2] =	stream.indirect.scatter.add.f32 [tilespmem:s17], [sflag:$0x3], $0x80, s26, s16, $0xb8;
	[tilespmem:$0x1E400] =	vst v63  }
0x39: {  	_ =	swait.ge [sflag:s14], $0x4000  }
0x3a: {  	[sflag:s14] =	ssyncset.done $0x0  }
0x3b: {  	s26 =	sadd.s32 $0x100, s25;
	[sflag:s14] =	ssyncadd.s32 $0xFFFFC000  }
0x3c: {  	[tilespmem:s17], [sflag:$0x1] =	stream.indirect.gather [hbm4b:s1+s16], $0x80, s26, s16, $0xb8;
	[tilespmem:$0x1E400] =	vst v63  }
0x3d: {  	_ =	swait.ge [sflag:s20], $0x4000  }
.Ltmp0:
0x3e: {  	[sflag:s20] =	ssyncset.done $0x0;
	(pc) =	sbr.rel @p0 .LBB2_2-.Ltmp0, $4  }
0x3f: {  	s25 =	sadd.s32 $0x1480, s25;
	[sflag:s20] =	ssyncadd.s32 $0xFFFFC000  }
0x40: {  	[spmem:s2] =	stream.indirect.scatter.add.f32 [tilespmem:s18], [sflag:$0x3], $0x80, s25, s16, $0xb8;
	[tilespmem:$0x1E400] =	vst v63  }
0x41: {  	_ =	swait.ge [sflag:s14], $0x4000  }
0x42: {  	s26 =	smov.u32 s30;
	s25 =	sshra.s32 s29, $0x2;
	[sflag:s14] =	ssyncset.done $0x0  }
0x43: {  	s26 =	sadd.s32 $0x80, s25;
	[sflag:s14] =	ssyncadd.s32 $0xFFFFC000  }
0x44: {  	[tilespmem:s18], [sflag:$0x2] =	stream.indirect.gather [hbm4b:s1+s16], $0x80, s26, s16, $0xb8;
	[tilespmem:$0x1E400] =	vst v63  }
0x45: {  	_ =	swait.ge [sflag:s19], $0x4000  }
0x46: {  	[sflag:s19] =	ssyncset.done $0x0  }
0x47: {  	s29 =	sadd.s32 $0x1400, s25;
	[sflag:s19] =	ssyncadd.s32 $0xFFFFC000  }
0x48: {  	[spmem:s2] =	stream.indirect.scatter.add.f32 [tilespmem:s17], [sflag:$0x3], $0x80, s29, s16, $0xb8;
	[tilespmem:$0x1E400] =	vst v63  }
0x49: {  	_ =	swait.ge [sflag:s14], $0x4000  }
0x4a: {  	[sflag:s14] =	ssyncset.done $0x0  }
0x4b: {  	s30 =	sadd.s32 $0x100, s25;
	[sflag:s14] =	ssyncadd.s32 $0xFFFFC000  }
0x4c: {  	[tilespmem:s17], [sflag:$0x1] =	stream.indirect.gather [hbm4b:s1+s16], $0x80, s30, s16, $0xb8;
	[tilespmem:$0x1E400] =	vst v63  }
0x4d: {  	_ =	swait.ge [sflag:s20], $0x4000  }
0x4e: {  	[sflag:s20] =	ssyncset.done $0x0  }
0x4f: {  	s31 =	sadd.s32 $0x1480, s25;
	[sflag:s20] =	ssyncadd.s32 $0xFFFFC000  }
0x50: {  	[spmem:s2] =	stream.indirect.scatter.add.f32 [tilespmem:s18], [sflag:$0x3], $0x80, s31, s16, $0xb8;
	[tilespmem:$0x1E400] =	vst v63  }
0x51: {  	_ =	swait.ge [sflag:s14], $0x4000  }
0x52: {  	[sflag:s14] =	ssyncset.done $0x0  }
0x53: {  	[sflag:s14] =	ssyncadd.s32 $0xFFFFC000  }
0x54: {  	[tilespmem:s18], [sflag:$0x2] =	stream.indirect.gather [hbm4b:s1+s16], $0x80, s21, s16, $0xb8;
	[tilespmem:$0x1E400] =	vst v63  }
0x55: {  	_ =	swait.ge [sflag:s19], $0x4000  }
0x56: {  	[sflag:s19] =	ssyncset.done $0x0  }
0x57: {  	[sflag:s19] =	ssyncadd.s32 $0xFFFFC000  }
0x58: {  	[spmem:s2] =	stream.indirect.scatter.add.f32 [tilespmem:s17], [sflag:$0x3], $0x80, s22, s16, $0xb8;
	[tilespmem:$0x1E400] =	vst v63  }
0x59: {  	_ =	swait.ge [sflag:s14], $0x4000  }
0x5a: {  	[sflag:s14] =	ssyncset.done $0x0  }
0x5b: {  	[sflag:s14] =	ssyncadd.s32 $0xFFFFC000  }
0x5c: {  	_ =	swait.ge [sflag:s20], $0x4000  }
0x5d: {  	[sflag:s20] =	ssyncset.done $0x0  }
0x5e: {  	[sflag:s20] =	ssyncadd.s32 $0xFFFFC000  }
0x5f: {  	[spmem:s2] =	stream.indirect.scatter.add.f32 [tilespmem:s18], [sflag:$0x3], $0x80, s23, s16, $0xb8;
	[tilespmem:$0x1E400] =	vst v63  }
0x60: {  	_ =	swait.ge [sflag:s14], $0x4000  }
0x61: {  	[sflag:s14] =	ssyncset.done $0x0  }
0x62: {  	s26 =	simm.s32 $0x0;
	[sflag:s14] =	ssyncadd.s32 $0xFFFFC000  }
0x63: {  	[tilespmem:s26], [sflag:$0x3] =	stream.linear.gather [hbm4b:s9+s26], $0x1400, $0x38;
	[tilespmem:$0x1E400] =	vst v63  }
0x64: {  	_ =	swait.ge [sflag:s14], $0x1400  }
0x65: {  	[sflag:s14] =	ssyncset.done $0x0  }
0x66: {  	[sflag:s14] =	ssyncadd.s32 $0xFFFFEC00  }
0x67: {  	[tilespmem:s15], [sflag:$0x3] =	stream.linear.gather [hbm4b:s10+s26], $0x1400, $0x38;
	[tilespmem:$0x1E400] =	vst v63  }
0x68: {  	_ =	swait.ge [sflag:s14], $0x1400  }
0x69: {  	[sflag:s14] =	ssyncset.done $0x0  }
0x6a: {  	[sflag:s14] =	ssyncadd.s32 $0xFFFFEC00  }
0x6b: {  	[tilespmem:s17], [sflag:$0x1] =	stream.indirect.gather [hbm4b:s1+s16], $0x80, s26, s16, $0xb8;
	[tilespmem:$0x1E400] =	vst v63  }
0x6c: {  	s28 =	simm.s32 $0x80  }
0x6d: {  	[tilespmem:s18], [sflag:$0x2] =	stream.indirect.gather [hbm4b:s1+s16], $0x80, s28, s16, $0xb8;
	[tilespmem:$0x1E400] =	vst v63  }
0x6e: {  	_ =	swait.ge [sflag:s19], $0x4000  }
0x6f: {  	[sflag:s19] =	ssyncset.done $0x0  }
0x70: {  	s29 =	simm.s32 $0x1400;
	[sflag:s19] =	ssyncadd.s32 $0xFFFFC000  }
0x71: {  	[spmem:s2] =	stream.indirect.scatter.add.f32 [tilespmem:s17], [sflag:$0x3], $0x80, s29, s16, $0xb8;
	[tilespmem:$0x1E400] =	vst v63  }
0x72: {  	_ =	swait.ge [sflag:s14], $0x4000  }
0x73: {  	[sflag:s14] =	ssyncset.done $0x0  }
0x74: {  	s30 =	simm.s32 $0x100;
	[sflag:s14] =	ssyncadd.s32 $0xFFFFC000  }
0x75: {  	[tilespmem:s17], [sflag:$0x1] =	stream.indirect.gather [hbm4b:s1+s16], $0x80, s30, s16, $0xb8;
	[tilespmem:$0x1E400] =	vst v63  }
0x76: {  	_ =	swait.ge [sflag:s20], $0x4000  }
0x77: {  	[sflag:s20] =	ssyncset.done $0x0  }
0x78: {  	s31 =	simm.s32 $0x1480;
	[sflag:s20] =	ssyncadd.s32 $0xFFFFC000  }
0x79: {  	[spmem:s2] =	stream.indirect.scatter.add.f32 [tilespmem:s18], [sflag:$0x3], $0x80, s31, s16, $0xb8;
	[tilespmem:$0x1E400] =	vst v63  }
0x7a: {  	_ =	swait.ge [sflag:s14], $0x4000  }
0x7b: {  	s25 =	simm.s32 $0x100;
	s26 =	simm.s32 $0x800;
	[sflag:s14] =	ssyncset.done $0x0  }
.LBB2_4:
0x7c: {  	s28 =	sadd.s32 $0x80, s25  }
0x7d: {  	[sflag:s14] =	ssyncadd.s32 $0xFFFFC000;
	s29 =	smov.u32 s26;
	s30 =	sadd.s32 $0x400, s26  }
0x7e: {  	[tilespmem:s18], [sflag:$0x2] =	stream.indirect.gather [hbm4b:s1+s16], $0x80, s28, s16, $0xb8;
	[tilespmem:$0x1E400] =	vst v63  }
0x7f: {  	p0 =	sne.s32 s26, $0x4800;
	_ =	swait.ge [sflag:s19], $0x4000  }
0x80: {  	[sflag:s19] =	ssyncset.done $0x0  }
0x81: {  	s26 =	sadd.s32 $0x1400, s25;
	[sflag:s19] =	ssyncadd.s32 $0xFFFFC000  }
0x82: {  	[spmem:s2] =	stream.indirect.scatter.add.f32 [tilespmem:s17], [sflag:$0x3], $0x80, s26, s16, $0xb8;
	[tilespmem:$0x1E400] =	vst v63  }
0x83: {  	_ =	swait.ge [sflag:s14], $0x4000  }
0x84: {  	[sflag:s14] =	ssyncset.done $0x0  }
0x85: {  	s26 =	sadd.s32 $0x100, s25;
	[sflag:s14] =	ssyncadd.s32 $0xFFFFC000  }
0x86: {  	[tilespmem:s17], [sflag:$0x1] =	stream.indirect.gather [hbm4b:s1+s16], $0x80, s26, s16, $0xb8;
	[tilespmem:$0x1E400] =	vst v63  }
0x87: {  	_ =	swait.ge [sflag:s20], $0x4000  }
.Ltmp1:
0x88: {  	[sflag:s20] =	ssyncset.done $0x0;
	(pc) =	sbr.rel @p0 .LBB2_4-.Ltmp1, $4  }
0x89: {  	s25 =	sadd.s32 $0x1480, s25;
	[sflag:s20] =	ssyncadd.s32 $0xFFFFC000  }
0x8a: {  	[spmem:s2] =	stream.indirect.scatter.add.f32 [tilespmem:s18], [sflag:$0x3], $0x80, s25, s16, $0xb8;
	[tilespmem:$0x1E400] =	vst v63  }
0x8b: {  	_ =	swait.ge [sflag:s14], $0x4000  }
0x8c: {  	s26 =	smov.u32 s30;
	s25 =	sshra.s32 s29, $0x2;
	[sflag:s14] =	ssyncset.done $0x0  }
0x8d: {  	s26 =	sadd.s32 $0x80, s25;
	[sflag:s14] =	ssyncadd.s32 $0xFFFFC000  }
0x8e: {  	[tilespmem:s18], [sflag:$0x2] =	stream.indirect.gather [hbm4b:s1+s16], $0x80, s26, s16, $0xb8;
	[tilespmem:$0x1E400] =	vst v63  }
0x8f: {  	_ =	swait.ge [sflag:s19], $0x4000  }
0x90: {  	[sflag:s19] =	ssyncset.done $0x0  }
0x91: {  	s29 =	sadd.s32 $0x1400, s25;
	[sflag:s19] =	ssyncadd.s32 $0xFFFFC000  }
0x92: {  	[spmem:s2] =	stream.indirect.scatter.add.f32 [tilespmem:s17], [sflag:$0x3], $0x80, s29, s16, $0xb8;
	[tilespmem:$0x1E400] =	vst v63  }
0x93: {  	_ =	swait.ge [sflag:s14], $0x4000  }
0x94: {  	[sflag:s14] =	ssyncset.done $0x0  }
0x95: {  	s30 =	sadd.s32 $0x100, s25;
	[sflag:s14] =	ssyncadd.s32 $0xFFFFC000  }
0x96: {  	[tilespmem:s17], [sflag:$0x1] =	stream.indirect.gather [hbm4b:s1+s16], $0x80, s30, s16, $0xb8;
	[tilespmem:$0x1E400] =	vst v63  }
0x97: {  	_ =	swait.ge [sflag:s20], $0x4000  }
0x98: {  	[sflag:s20] =	ssyncset.done $0x0  }
0x99: {  	s31 =	sadd.s32 $0x1480, s25;
	[sflag:s20] =	ssyncadd.s32 $0xFFFFC000  }
0x9a: {  	[spmem:s2] =	stream.indirect.scatter.add.f32 [tilespmem:s18], [sflag:$0x3], $0x80, s31, s16, $0xb8;
	[tilespmem:$0x1E400] =	vst v63  }
0x9b: {  	_ =	swait.ge [sflag:s14], $0x4000  }
0x9c: {  	[sflag:s14] =	ssyncset.done $0x0  }
0x9d: {  	[sflag:s14] =	ssyncadd.s32 $0xFFFFC000  }
0x9e: {  	[tilespmem:s18], [sflag:$0x2] =	stream.indirect.gather [hbm4b:s1+s16], $0x80, s21, s16, $0xb8;
	[tilespmem:$0x1E400] =	vst v63  }
0x9f: {  	_ =	swait.ge [sflag:s19], $0x4000  }
0xa0: {  	[sflag:s19] =	ssyncset.done $0x0  }
0xa1: {  	[sflag:s19] =	ssyncadd.s32 $0xFFFFC000  }
0xa2: {  	[spmem:s2] =	stream.indirect.scatter.add.f32 [tilespmem:s17], [sflag:$0x3], $0x80, s22, s16, $0xb8;
	[tilespmem:$0x1E400] =	vst v63  }
0xa3: {  	_ =	swait.ge [sflag:s14], $0x4000  }
0xa4: {  	[sflag:s14] =	ssyncset.done $0x0  }
0xa5: {  	[sflag:s14] =	ssyncadd.s32 $0xFFFFC000  }
0xa6: {  	_ =	swait.ge [sflag:s20], $0x4000  }
0xa7: {  	[sflag:s20] =	ssyncset.done $0x0  }
0xa8: {  	[sflag:s20] =	ssyncadd.s32 $0xFFFFC000  }
0xa9: {  	[spmem:s2] =	stream.indirect.scatter.add.f32 [tilespmem:s18], [sflag:$0x3], $0x80, s23, s16, $0xb8;
	[tilespmem:$0x1E400] =	vst v63  }
0xaa: {  	_ =	swait.ge [sflag:s14], $0x4000  }
0xab: {  	s24 =	sadd.s32 $0x1, s24;
	[sflag:s14] =	ssyncset.done $0x0  }
0xac: {  	p0 =	sne.s32 s24, s12;
	[sflag:s14] =	ssyncadd.s32 $0xFFFFC000  }
.Ltmp2:
0xad: {  	[bflag:$0x0] =	sbarrier.arrive $0xFFFF;
	(pc) =	sbr.rel @p0 .LBB2_1-.Ltmp2, $4  }
0xae: {  	[hbm:s11], [sflag:s6] =	dma.local [spmem:s13], $0x2780  }
0xaf: {  	_ =	swait.ge [sflag:s14], $0x2780  }
0xb0: {  	[sflag:s14] =	ssyncset.done $0x0  }
0xb1: {  	[sflag:s14] =	ssyncadd.s32 $0xFFFFD880  }
0xb2: {  	_ =	sfence.sel $0x180000  }
0xb3: {  	[bflag:$0x0] =	sbarrier.arrive $0xFFFF  }
0xb4: {  	p0 =	sne.s32 s3, $0x0;
	_ =	strace $0x90000047  }
0xb5: {  	s0 =	sadd.s32 @!p0 $0x100000, s0;
	[bflag:$0x2] =	sbarrier.arrive $0xFFFF  }
0xb6: {  	[sflag:s0] =	ssyncadd.tile.s32 @!p0 $0x1;
	_ =	shalt  }
.Lfunc_end2:
_tile_overlayer_lowered:
.L_overlay_start_2:
0xb7: {  	(tag) =	ssettag $0x2  }
0xb8: {  	s0 =	rddreg [dreg:$0x0];
	s2 =	stileid.u32  }
0xb9: {  	s1 =	rddreg [dreg:$0x1];
	p0 =	sne.s32 s2, $0x0  }
0xba: {  	s3 =	rddreg [dreg:$0x2];
	[bflag:$0x3] =	sbarrier.arrive $0xFFFF;
	s2 =	simm.s32 @!p0 $0x1C03  }
0xbb: {  	[timem:s3], [sflag:s2] =	dma.local @!p0 [hbm:s0], s1  }
0xbc: {  	s0 =	simm.s32 @!p0 $0x3  }
0xbd: {  	_ =	swait.ge @!p0 [sflag:s0], s1  }
0xbe: {  	s1 =	ssub.s32 @!p0 $0x0, s1;
	[sflag:s0] =	ssyncset.done @!p0 $0x0  }
0xbf: {  	[sflag:s0] =	ssyncadd.s32 @!p0 s1  }
0xc0: {  	[bflag:$0x3] =	sbarrier.arrive $0xFFFF  }
0xc1: {  	_ =	shalt  }

</sc_bundles>
